<compile_context>
chip_gen: v7x
topology: tpu7x:2x2x1
jax: 0.10.2.dev20260603
libtpu: 0.0.44.dev20260713+nightly
codegen_flags: <defaults>
</compile_context>

<pallas_src>
import functools

import jax
import jax.numpy as jnp
from jax import lax
from jax.experimental import pallas as pl
from jax.experimental.pallas import tpu as pltpu
from jax.experimental.pallas import tpu_sc as plsc

N_VOCAB = 1000000
EMB_DIM = 64
BATCH = 4096
SEQ_LEN = 200

NC = 2
NS = 16
PLANES_PER_SC = EMB_DIM // NC
B_PER_TEC = BATCH // NS
CH_S = 25
NCH = SEQ_LEN // CH_S

LOAD_CH = 62496
LOAD_TAIL = N_VOCAB - 15 * LOAD_CH

VC = 124928
NVC = 9
TAIL_V = N_VOCAB - 8 * VC


def _detile_body(in_ref, out_ref):
    for f in range(8):
        out_ref[pl.ds(f * VC, VC)] = in_ref[f]


_detile = pl.pallas_call(
    _detile_body,
    grid=(8, NVC),
    in_specs=[pl.BlockSpec((8, VC), lambda i, j: (i, j))],
    out_specs=pl.BlockSpec((8 * VC, ), lambda i, j: (j * 8 + i,)),
    out_shape=jax.ShapeDtypeStruct((NVC * EMB_DIM * VC,), jnp.float32),
)


def _make_gather():
    mesh = plsc.VectorSubcoreMesh(core_axis_name="c", subcore_axis_name="s")

    @functools.partial(
        pl.kernel,
        mesh=mesh,
        compiler_params=pltpu.CompilerParams(use_tc_tiling_on_sc=False),
        out_type=jax.ShapeDtypeStruct((SEQ_LEN, 8, 32, 8, 128), jnp.float32),
        scratch_types=[
            pltpu.VMEM_SHARED((N_VOCAB,), jnp.float32),
            pltpu.VMEM_SHARED((CH_S, 2, 128), jnp.float32),
            pltpu.VMEM((SEQ_LEN, B_PER_TEC), jnp.int32),
            pltpu.VMEM((2, CH_S, 2, 128), jnp.float32),
            pltpu.SemaphoreType.DMA,
            pltpu.SemaphoreType.DMA,
            pltpu.SemaphoreType.DMA,
        ],
    )
    def gather_kernel(idxT_hbm, tableT_hbm, out_hbm, plane_smem, dummy_sh,
                      idx_v, dstbuf, lsem, gsem, wsem):
        cid = lax.axis_index("c")
        sid = lax.axis_index("s")
        b0 = sid * B_PER_TEC
        off = sid * LOAD_CH

        VCS = VC // NS

        def load(p):
            def lfire(j, carry):
                pltpu.async_copy(
                    tableT_hbm.at[pl.ds((j * EMB_DIM + p) * VC
                                        + sid * VCS, VCS)],
                    plane_smem.at[pl.ds(j * VC + sid * VCS, VCS)], lsem)
                return carry

            lax.fori_loop(0, 8, lfire, 0)

            @pl.when(sid == 0)
            def _():
                pltpu.async_copy(
                    tableT_hbm.at[pl.ds((8 * EMB_DIM + p) * VC, TAIL_V)],
                    plane_smem.at[pl.ds(8 * VC, TAIL_V)], lsem)

        def wait_my_load():
            def lwait(j, carry):
                pltpu.make_async_copy(
                    tableT_hbm.at[pl.ds(0, VCS)],
                    plane_smem.at[pl.ds(0, VCS)], lsem).wait()
                return carry

            lax.fori_loop(0, 8, lwait, 0)

            @pl.when(sid == 0)
            def _():
                pltpu.make_async_copy(
                    tableT_hbm.at[pl.ds(0, TAIL_V)],
                    plane_smem.at[pl.ds(0, TAIL_V)], lsem).wait()

        def drain(sem):
            pltpu.make_async_copy(dstbuf.at[0], dummy_sh, sem).wait()

        def ifire(s_, carry):
            pltpu.async_copy(idxT_hbm.at[pl.ds(s_ * BATCH + b0, B_PER_TEC)],
                             idx_v.at[s_], gsem)
            return carry

        lax.fori_loop(0, SEQ_LEN, ifire, 0)

        def idrain(c, carry):
            drain(gsem)
            return carry

        lax.fori_loop(0, NCH, idrain, 0)

        def do_chunk(j, c):
            p = cid * PLANES_PER_SC + j
            a = p // 8
            fi = p % 8
            buf = lax.rem(c, 2)

            @pl.when(j * NCH + c >= 2)
            def _():
                drain(wsem)

            def gfire(s_local, carry):
                s_ = c * CH_S + s_local
                for h2 in (0, 1):
                    pltpu.async_copy(
                        plane_smem.at[idx_v.at[s_, pl.ds(h2 * 128, 128)]],
                        dstbuf.at[buf, s_local, h2], gsem)
                return carry

            lax.fori_loop(0, CH_S, gfire, 0, unroll=CH_S)
            drain(gsem)
            pltpu.async_copy(
                dstbuf.at[buf],
                out_hbm.at[pl.ds(c * CH_S, CH_S), a,
                           pl.ds(2 * sid, 2), fi, :],
                wsem)

        def plane_body(j, carry):
            load(cid * PLANES_PER_SC + j)
            wait_my_load()
            plsc.subcore_barrier()

            def chunk_body(c, carry2):
                do_chunk(j, c)
                return carry2

            lax.fori_loop(0, NCH, chunk_body, 0)
            plsc.subcore_barrier()
            return carry

        lax.fori_loop(0, PLANES_PER_SC, plane_body, 0)
        drain(wsem)
        drain(wsem)

    return gather_kernel


_gather = _make_gather()


def kernel(word_seq, emb_weight):
    idxT = word_seq.T.reshape(SEQ_LEN * BATCH)
    table_lin = _detile(emb_weight.T)
    out6 = _gather(idxT, table_lin)
    return out6.transpose(2, 4, 0, 1, 3).reshape(BATCH, SEQ_LEN, EMB_DIM)

# --- scband reference (transcript-rebuilt; emitter-appended) ---
"""Pipeline reference for scband-word-embedding-49641232007543 (READ-ONLY COPY).

The authoritative reference and input builder live on the scoring server;
editing this copy changes nothing except your own understanding.
"""

import jax, jax.numpy as jnp
import numpy as np

N_VOCAB = 1000000
EMB_DIM = 64
BATCH = 4096
SEQ_LEN = 200
PAD_IDX = 0


def setup_inputs(seed: int = 0) -> dict:
    key = jax.random.key(seed)
    k_idx, k_w = jax.random.split(key)
    word_seq = jax.random.randint(k_idx, (BATCH, SEQ_LEN), 0, N_VOCAB, dtype=jnp.int32)
    emb_weight = jax.random.normal(k_w, (N_VOCAB, EMB_DIM), dtype=jnp.float32)
    # nn.Embedding with padding_idx initializes that row to zero
    emb_weight = emb_weight.at[PAD_IDX].set(0.0)
    return {"word_seq": word_seq, "emb_weight": emb_weight}


def reference(word_seq, emb_weight):
    # WordEmbedding.forward: [batch, seq_len] -> [batch, seq_len, emb_dim]
    return jnp.take(emb_weight, word_seq, axis=0)

if __name__ == "__main__":
    import jax
    _d = setup_inputs()
    print(jax.jit(kernel)(*tuple(_d.values())))

</pallas_src>

<mosaic_0001>
#map = affine_map<(d0, d1) -> (0)>
#map1 = affine_map<(d0, d1) -> (0, 0, 0, 0, 0)>
module attributes {stable_mosaic.version = 14 : i64} {
  func.func @gather_kernel(%arg0: i32, %arg1: i32, %arg2: memref<819200xi32, #tpu.memory_space<hbm>>, %arg3: memref<71958528xf32, #tpu.memory_space<hbm>>, %arg4: memref<200x8x32x8x128xf32, #tpu.memory_space<hbm>>, %arg5: memref<1000000xf32, #tpu.memory_space<vmem_shared>>, %arg6: memref<25x2x128xf32, #tpu.memory_space<vmem_shared>>, %arg7: memref<200x256xi32, #tpu.memory_space<vmem>>, %arg8: memref<2x25x2x128xf32, #tpu.memory_space<vmem>>, %arg9: memref<!tpu.dma_semaphore, #tpu.memory_space<semaphore_mem>>, %arg10: memref<!tpu.dma_semaphore, #tpu.memory_space<semaphore_mem>>, %arg11: memref<!tpu.dma_semaphore, #tpu.memory_space<semaphore_mem>>) attributes {dimension_semantics = [#tpu.dimension_semantics<core_parallel>, #tpu.dimension_semantics<subcore_parallel>], iteration_bounds = array<i64: 2, 16>, scalar_prefetch = 0 : i64, scratch_operands = 7 : i64, tpu.core_type = #tpu.core_type<sc_vector_subcore>, window_params = [{transform_indices = #map}, {transform_indices = #map}, {transform_indices = #map1}]} {
    %mul3A = arith.constant 256 : i32
    %mul3A_0 = arith.muli %arg1, %mul3A : i32
    %mul3A_1 = arith.constant 62496 : i32
    %mul3A_2 = arith.muli %arg1, %mul3A_1 : i32
    %scan3A = arith.constant 0 : i32
    %scan3A_3 = arith.constant 0 : i32
    %scan3A_4 = arith.constant 200 : i32
    %scan3A_5 = arith.addi %scan3A_3, %scan3A_4 : i32
    %scan3A_6 = arith.constant 1 : i32
    scf.for %scan3A_41 = %scan3A_3 to %scan3A_5 step %scan3A_6  : i32 {
      %mul3A_42 = arith.constant 4096 : i32
      %mul3A_43 = arith.muli %scan3A_41, %mul3A_42 : i32
      %add3A = arith.addi %mul3A_43, %mul3A_0 : i32
      %dma_start3A = arith.constant 0 : i32
      %dma_start3A_44 = tpu.memref_slice %arg7[%scan3A_41, %dma_start3A] : memref<200x256xi32, #tpu.memory_space<vmem>> -> memref<1x256xi32, #tpu.memory_space<vmem>>
      %dma_start3A_45 = tpu.memref_squeeze %dma_start3A_44 : memref<1x256xi32, #tpu.memory_space<vmem>> -> memref<256xi32, #tpu.memory_space<vmem>>
      %dma_start3A_46 = tpu.memref_slice %arg2[%add3A] : memref<819200xi32, #tpu.memory_space<hbm>> -> memref<256xi32, #tpu.memory_space<hbm>>
      %dma_start3A_47 = arith.constant 0 : i32
      %dma_start3A_48 = tpu.memref_slice %arg7[%scan3A_41, %dma_start3A_47] : memref<200x256xi32, #tpu.memory_space<vmem>> -> memref<1x256xi32, #tpu.memory_space<vmem>>
      %dma_start3A_49 = tpu.memref_squeeze %dma_start3A_48 : memref<1x256xi32, #tpu.memory_space<vmem>> -> memref<256xi32, #tpu.memory_space<vmem>>
      %dma_start3A_50 = tpu.memref_slice %arg2[%add3A] : memref<819200xi32, #tpu.memory_space<hbm>> -> memref<256xi32, #tpu.memory_space<hbm>>
      tpu.enqueue_dma source(%dma_start3A_50 : memref<256xi32, #tpu.memory_space<hbm>>) target(%dma_start3A_49 : memref<256xi32, #tpu.memory_space<vmem>>) target_semaphore(%arg10 : memref<!tpu.dma_semaphore, #tpu.memory_space<semaphore_mem>>)
    }
    %scan3A_7 = arith.constant 200 : i32
    %scan3A_8 = arith.constant 0 : i32
    %scan3A_9 = arith.constant 0 : i32
    %scan3A_10 = arith.constant 8 : i32
    %scan3A_11 = arith.addi %scan3A_9, %scan3A_10 : i32
    %scan3A_12 = arith.constant 1 : i32
    scf.for %scan3A_41 = %scan3A_9 to %scan3A_11 step %scan3A_12  : i32 {
      %dma_wait3A_42 = arith.constant 0 : i32
      %dma_wait3A_43 = arith.constant 0 : i32
      %dma_wait3A_44 = arith.constant 0 : i32
      %dma_wait3A_45 = arith.constant 0 : i32
      %dma_wait3A_46 = tpu.memref_slice %arg8[%dma_wait3A_42, %dma_wait3A_43, %dma_wait3A_44, %dma_wait3A_45] : memref<2x25x2x128xf32, #tpu.memory_space<vmem>> -> memref<1x25x2x128xf32, #tpu.memory_space<vmem>>
      %dma_wait3A_47 = tpu.memref_squeeze %dma_wait3A_46 : memref<1x25x2x128xf32, #tpu.memory_space<vmem>> -> memref<25x2x128xf32, #tpu.memory_space<vmem>>
      %dma_wait3A_48 = arith.constant 0 : i32
      %dma_wait3A_49 = arith.constant 0 : i32
      %dma_wait3A_50 = arith.constant 0 : i32
      %dma_wait3A_51 = tpu.memref_slice %arg8[%dma_wait3A_42, %dma_wait3A_48, %dma_wait3A_49, %dma_wait3A_50] : memref<2x25x2x128xf32, #tpu.memory_space<vmem>> -> memref<1x25x2x128xf32, #tpu.memory_space<vmem>>
      %dma_wait3A_52 = tpu.memref_squeeze %dma_wait3A_51 : memref<1x25x2x128xf32, #tpu.memory_space<vmem>> -> memref<25x2x128xf32, #tpu.memory_space<vmem>>
      tpu.wait_dma2 semaphore(%arg10 : memref<!tpu.dma_semaphore, #tpu.memory_space<semaphore_mem>>) src(%dma_wait3A_52 : memref<25x2x128xf32, #tpu.memory_space<vmem>>) dst(%arg6 : memref<25x2x128xf32, #tpu.memory_space<vmem_shared>>)
    }
    %scan3A_13 = arith.constant 8 : i32
    %scan3A_14 = arith.constant 0 : i32
    %scan3A_15 = arith.constant 0 : i32
    %scan3A_16 = arith.constant 32 : i32
    %scan3A_17 = arith.addi %scan3A_15, %scan3A_16 : i32
    %scan3A_18 = arith.constant 1 : i32
    scf.for %scan3A_41 = %scan3A_15 to %scan3A_17 step %scan3A_18  : i32 {
      %mul3A_42 = arith.constant 32 : i32
      %mul3A_43 = arith.muli %arg0, %mul3A_42 : i32
      %add3A = arith.addi %mul3A_43, %scan3A_41 : i32
      %scan3A_44 = arith.constant 0 : i32
      %scan3A_45 = arith.constant 0 : i32
      %scan3A_46 = arith.constant 8 : i32
      %scan3A_47 = arith.addi %scan3A_45, %scan3A_46 : i32
      %scan3A_48 = arith.constant 1 : i32
      scf.for %scan3A_70 = %scan3A_45 to %scan3A_47 step %scan3A_48  : i32 {
        %mul3A_71 = arith.constant 64 : i32
        %mul3A_72 = arith.muli %scan3A_70, %mul3A_71 : i32
        %add3A_73 = arith.addi %mul3A_72, %add3A : i32
        %mul3A_74 = arith.constant 124928 : i32
        %mul3A_75 = arith.muli %add3A_73, %mul3A_74 : i32
        %mul3A_76 = arith.constant 7808 : i32
        %mul3A_77 = arith.muli %arg1, %mul3A_76 : i32
        %add3A_78 = arith.addi %mul3A_75, %mul3A_77 : i32
        %mul3A_79 = arith.constant 124928 : i32
        %mul3A_80 = arith.muli %scan3A_70, %mul3A_79 : i32
        %mul3A_81 = arith.constant 7808 : i32
        %mul3A_82 = arith.muli %arg1, %mul3A_81 : i32
        %add3A_83 = arith.addi %mul3A_80, %mul3A_82 : i32
        %dma_start3A = tpu.memref_slice %arg5[%add3A_83] : memref<1000000xf32, #tpu.memory_space<vmem_shared>> -> memref<7808xf32, #tpu.memory_space<vmem_shared>>
        %dma_start3A_84 = tpu.memref_slice %arg3[%add3A_78] : memref<71958528xf32, #tpu.memory_space<hbm>> -> memref<7808xf32, #tpu.memory_space<hbm>>
        tpu.enqueue_dma source(%dma_start3A_84 : memref<7808xf32, #tpu.memory_space<hbm>>) target(%dma_start3A : memref<7808xf32, #tpu.memory_space<vmem_shared>>) target_semaphore(%arg9 : memref<!tpu.dma_semaphore, #tpu.memory_space<semaphore_mem>>)
      }
      %scan3A_49 = arith.constant 8 : i32
      %eq3A = arith.constant 0 : i32
      %eq3A_50 = arith.cmpi eq, %arg1, %eq3A : i32
      %convert_element_type3A = arith.extui %eq3A_50 : i1 to i32
      %cond3A = arith.constant 0 : i32
      %cond3A_51 = arith.cmpi ne, %convert_element_type3A, %cond3A : i32
      scf.if %cond3A_51 {
        %add3A_70 = arith.constant 512 : i32
        %add3A_71 = arith.addi %add3A_70, %add3A : i32
        %mul3A_72 = arith.constant 124928 : i32
        %mul3A_73 = arith.muli %add3A_71, %mul3A_72 : i32
        %dma_start3A = arith.constant 999424 : i32
        %dma_start3A_74 = tpu.memref_slice %arg5[%dma_start3A] : memref<1000000xf32, #tpu.memory_space<vmem_shared>> -> memref<576xf32, #tpu.memory_space<vmem_shared>>
        %dma_start3A_75 = tpu.memref_slice %arg3[%mul3A_73] : memref<71958528xf32, #tpu.memory_space<hbm>> -> memref<576xf32, #tpu.memory_space<hbm>>
        tpu.enqueue_dma source(%dma_start3A_75 : memref<576xf32, #tpu.memory_space<hbm>>) target(%dma_start3A_74 : memref<576xf32, #tpu.memory_space<vmem_shared>>) target_semaphore(%arg9 : memref<!tpu.dma_semaphore, #tpu.memory_space<semaphore_mem>>)
      } else {
      }
      %scan3A_52 = arith.constant 0 : i32
      %scan3A_53 = arith.constant 0 : i32
      %scan3A_54 = arith.constant 8 : i32
      %scan3A_55 = arith.addi %scan3A_53, %scan3A_54 : i32
      %scan3A_56 = arith.constant 1 : i32
      scf.for %scan3A_70 = %scan3A_53 to %scan3A_55 step %scan3A_56  : i32 {
        %dma_wait3A_71 = arith.constant 0 : i32
        %dma_wait3A_72 = tpu.memref_slice %arg5[%dma_wait3A_71] : memref<1000000xf32, #tpu.memory_space<vmem_shared>> -> memref<7808xf32, #tpu.memory_space<vmem_shared>>
        %dma_wait3A_73 = arith.constant 0 : i32
        %dma_wait3A_74 = tpu.memref_slice %arg3[%dma_wait3A_73] : memref<71958528xf32, #tpu.memory_space<hbm>> -> memref<7808xf32, #tpu.memory_space<hbm>>
        tpu.wait_dma2 semaphore(%arg9 : memref<!tpu.dma_semaphore, #tpu.memory_space<semaphore_mem>>) src(%dma_wait3A_74 : memref<7808xf32, #tpu.memory_space<hbm>>) dst(%dma_wait3A_72 : memref<7808xf32, #tpu.memory_space<vmem_shared>>)
      }
      %scan3A_57 = arith.constant 8 : i32
      %eq3A_58 = arith.constant 0 : i32
      %eq3A_59 = arith.cmpi eq, %arg1, %eq3A_58 : i32
      %convert_element_type3A_60 = arith.extui %eq3A_59 : i1 to i32
      %cond3A_61 = arith.constant 0 : i32
      %cond3A_62 = arith.cmpi ne, %convert_element_type3A_60, %cond3A_61 : i32
      scf.if %cond3A_62 {
        %dma_wait3A_70 = arith.constant 0 : i32
        %dma_wait3A_71 = tpu.memref_slice %arg5[%dma_wait3A_70] : memref<1000000xf32, #tpu.memory_space<vmem_shared>> -> memref<576xf32, #tpu.memory_space<vmem_shared>>
        %dma_wait3A_72 = arith.constant 0 : i32
        %dma_wait3A_73 = tpu.memref_slice %arg3[%dma_wait3A_72] : memref<71958528xf32, #tpu.memory_space<hbm>> -> memref<576xf32, #tpu.memory_space<hbm>>
        tpu.wait_dma2 semaphore(%arg9 : memref<!tpu.dma_semaphore, #tpu.memory_space<semaphore_mem>>) src(%dma_wait3A_73 : memref<576xf32, #tpu.memory_space<hbm>>) dst(%dma_wait3A_71 : memref<576xf32, #tpu.memory_space<vmem_shared>>)
      } else {
      }
      %barrier3A = arith.constant 0 : index
      tpu.barrier barrier_id(%barrier3A)
      %scan3A_63 = arith.constant 0 : i32
      %scan3A_64 = arith.constant 0 : i32
      %scan3A_65 = arith.constant 8 : i32
      %scan3A_66 = arith.addi %scan3A_64, %scan3A_65 : i32
      %scan3A_67 = arith.constant 1 : i32
      scf.for %scan3A_70 = %scan3A_64 to %scan3A_66 step %scan3A_67  : i32 {
        %mul3A_71 = arith.constant 32 : i32
        %mul3A_72 = arith.muli %arg0, %mul3A_71 : i32
        %add3A_73 = arith.addi %mul3A_72, %scan3A_41 : i32
        %jit3A = arith.constant 8 : i32
        %div3A = arith.divsi %add3A_73, %jit3A : i32
        %sign3A = arith.constant 0 : i32
        %sign3A_74 = arith.cmpi sgt, %add3A_73, %sign3A : i32
        %sign3A_75 = arith.extui %sign3A_74 : i1 to i32
        %sign3A_76 = arith.constant 0 : i32
        %sign3A_77 = arith.cmpi slt, %add3A_73, %sign3A_76 : i32
        %sign3A_78 = arith.extui %sign3A_77 : i1 to i32
        %sign3A_79 = arith.subi %sign3A_75, %sign3A_78 : i32
        %sign3A_80 = arith.constant 0 : i32
        %sign3A_81 = arith.cmpi sgt, %jit3A, %sign3A_80 : i32
        %sign3A_82 = arith.extui %sign3A_81 : i1 to i32
        %sign3A_83 = arith.constant 0 : i32
        %sign3A_84 = arith.cmpi slt, %jit3A, %sign3A_83 : i32
        %sign3A_85 = arith.extui %sign3A_84 : i1 to i32
        %sign3A_86 = arith.subi %sign3A_82, %sign3A_85 : i32
        %ne3A = arith.cmpi ne, %sign3A_79, %sign3A_86 : i32
        %rem3A = arith.remsi %add3A_73, %jit3A : i32
        %ne3A_87 = arith.constant 0 : i32
        %ne3A_88 = arith.cmpi ne, %rem3A, %ne3A_87 : i32
        %and3A = arith.andi %ne3A, %ne3A_88 : i1
        %sub3A = arith.constant 1 : i32
        %sub3A_89 = arith.subi %div3A, %sub3A : i32
        %select_n3A = arith.select %and3A, %sub3A_89, %div3A : i32
        %jit3A_90 = arith.constant 8 : i32
        %eq3A_91 = arith.constant 0 : i32
        %eq3A_92 = arith.cmpi eq, %jit3A_90, %eq3A_91 : i32
        %jit3A_93 = arith.constant 1 : i32
        %select_n3A_94 = arith.select %eq3A_92, %jit3A_93, %jit3A_90 : i32
        %rem3A_95 = arith.remsi %add3A_73, %select_n3A_94 : i32
        %ne3A_96 = arith.constant 0 : i32
        %ne3A_97 = arith.cmpi ne, %rem3A_95, %ne3A_96 : i32
        %lt3A = arith.constant 0 : i32
        %lt3A_98 = arith.cmpi slt, %rem3A_95, %lt3A : i32
        %lt3A_99 = arith.constant 0 : i32
        %lt3A_100 = arith.cmpi slt, %select_n3A_94, %lt3A_99 : i32
        %ne3A_101 = arith.xori %lt3A_98, %lt3A_100 : i1
        %and3A_102 = arith.andi %ne3A_101, %ne3A_97 : i1
        %add3A_103 = arith.addi %rem3A_95, %select_n3A_94 : i32
        %select_n3A_104 = arith.select %and3A_102, %add3A_103, %rem3A_95 : i32
        %rem3A_105 = arith.constant 2 : i32
        %rem3A_106 = arith.remsi %scan3A_70, %rem3A_105 : i32
        %mul3A_107 = arith.constant 8 : i32
        %mul3A_108 = arith.muli %scan3A_41, %mul3A_107 : i32
        %add3A_109 = arith.addi %mul3A_108, %scan3A_70 : i32
        %ge3A = arith.constant 2 : i32
        %ge3A_110 = arith.cmpi sge, %add3A_109, %ge3A : i32
        %convert_element_type3A_111 = arith.extui %ge3A_110 : i1 to i32
        %cond3A_112 = arith.constant 0 : i32
        %cond3A_113 = arith.cmpi ne, %convert_element_type3A_111, %cond3A_112 : i32
        scf.if %cond3A_113 {
          %dma_wait3A_696 = arith.constant 0 : i32
          %dma_wait3A_697 = arith.constant 0 : i32
          %dma_wait3A_698 = arith.constant 0 : i32
          %dma_wait3A_699 = arith.constant 0 : i32
          %dma_wait3A_700 = tpu.memref_slice %arg8[%dma_wait3A_696, %dma_wait3A_697, %dma_wait3A_698, %dma_wait3A_699] : memref<2x25x2x128xf32, #tpu.memory_space<vmem>> -> memref<1x25x2x128xf32, #tpu.memory_space<vmem>>
          %dma_wait3A_701 = tpu.memref_squeeze %dma_wait3A_700 : memref<1x25x2x128xf32, #tpu.memory_space<vmem>> -> memref<25x2x128xf32, #tpu.memory_space<vmem>>
          %dma_wait3A_702 = arith.constant 0 : i32
          %dma_wait3A_703 = arith.constant 0 : i32
          %dma_wait3A_704 = arith.constant 0 : i32
          %dma_wait3A_705 = tpu.memref_slice %arg8[%dma_wait3A_696, %dma_wait3A_702, %dma_wait3A_703, %dma_wait3A_704] : memref<2x25x2x128xf32, #tpu.memory_space<vmem>> -> memref<1x25x2x128xf32, #tpu.memory_space<vmem>>
          %dma_wait3A_706 = tpu.memref_squeeze %dma_wait3A_705 : memref<1x25x2x128xf32, #tpu.memory_space<vmem>> -> memref<25x2x128xf32, #tpu.memory_space<vmem>>
          tpu.wait_dma2 semaphore(%arg11 : memref<!tpu.dma_semaphore, #tpu.memory_space<semaphore_mem>>) src(%dma_wait3A_706 : memref<25x2x128xf32, #tpu.memory_space<vmem>>) dst(%arg6 : memref<25x2x128xf32, #tpu.memory_space<vmem_shared>>)
        } else {
        }
        %scan3A_114 = arith.constant 0 : i32
        %scan3A_115 = arith.constant 0 : i32
        %mul3A_116 = arith.constant 25 : i32
        %mul3A_117 = arith.muli %scan3A_70, %mul3A_116 : i32
        %add3A_118 = arith.addi %mul3A_117, %scan3A_115 : i32
        %dma_start3A = arith.constant 0 : i32
        %dma_start3A_119 = arith.constant 0 : i32
        %dma_start3A_120 = tpu.memref_slice %arg8[%rem3A_106, %scan3A_115, %dma_start3A, %dma_start3A_119] : memref<2x25x2x128xf32, #tpu.memory_space<vmem>> -> memref<1x1x1x128xf32, #tpu.memory_space<vmem>>
        %dma_start3A_121 = tpu.memref_squeeze %dma_start3A_120 : memref<1x1x1x128xf32, #tpu.memory_space<vmem>> -> memref<128xf32, #tpu.memory_space<vmem>>
        %dma_start3A_122 = arith.constant 0 : i32
        %dma_start3A_123 = tpu.memref_slice %arg7[%add3A_118, %dma_start3A_122] : memref<200x256xi32, #tpu.memory_space<vmem>> -> memref<1x128xi32, #tpu.memory_space<vmem>>
        %dma_start3A_124 = tpu.memref_squeeze %dma_start3A_123 : memref<1x128xi32, #tpu.memory_space<vmem>> -> memref<128xi32, #tpu.memory_space<vmem>>
        %dma_start3A_125 = arith.constant 0 : i32
        %dma_start3A_126 = tpu.memref_slice %arg5[%dma_start3A_125] : memref<1000000xf32, #tpu.memory_space<vmem_shared>> -> memref<1000000xf32, #tpu.memory_space<vmem_shared>>
        tpu.enqueue_indirect_dma source(%dma_start3A_126 : memref<1000000xf32, #tpu.memory_space<vmem_shared>>) target(%dma_start3A_121 : memref<128xf32, #tpu.memory_space<vmem>>) offsets(%dma_start3A_124 : memref<128xi32, #tpu.memory_space<vmem>>) semaphore(%arg10 : memref<!tpu.dma_semaphore, #tpu.memory_space<semaphore_mem>>)
        %dma_start3A_127 = arith.constant 1 : i32
        %dma_start3A_128 = arith.constant 0 : i32
        %dma_start3A_129 = tpu.memref_slice %arg8[%rem3A_106, %scan3A_115, %dma_start3A_127, %dma_start3A_128] : memref<2x25x2x128xf32, #tpu.memory_space<vmem>> -> memref<1x1x1x128xf32, #tpu.memory_space<vmem>>
        %dma_start3A_130 = tpu.memref_squeeze %dma_start3A_129 : memref<1x1x1x128xf32, #tpu.memory_space<vmem>> -> memref<128xf32, #tpu.memory_space<vmem>>
        %dma_start3A_131 = arith.constant 128 : i32
        %dma_start3A_132 = tpu.memref_slice %arg7[%add3A_118, %dma_start3A_131] : memref<200x256xi32, #tpu.memory_space<vmem>> -> memref<1x128xi32, #tpu.memory_space<vmem>>
        %dma_start3A_133 = tpu.memref_squeeze %dma_start3A_132 : memref<1x128xi32, #tpu.memory_space<vmem>> -> memref<128xi32, #tpu.memory_space<vmem>>
        %dma_start3A_134 = arith.constant 0 : i32
        %dma_start3A_135 = tpu.memref_slice %arg5[%dma_start3A_134] : memref<1000000xf32, #tpu.memory_space<vmem_shared>> -> memref<1000000xf32, #tpu.memory_space<vmem_shared>>
        tpu.enqueue_indirect_dma source(%dma_start3A_135 : memref<1000000xf32, #tpu.memory_space<vmem_shared>>) target(%dma_start3A_130 : memref<128xf32, #tpu.memory_space<vmem>>) offsets(%dma_start3A_133 : memref<128xi32, #tpu.memory_space<vmem>>) semaphore(%arg10 : memref<!tpu.dma_semaphore, #tpu.memory_space<semaphore_mem>>)
        %scan3A_136 = arith.constant 1 : i32
        %mul3A_137 = arith.constant 25 : i32
        %mul3A_138 = arith.muli %scan3A_70, %mul3A_137 : i32
        %add3A_139 = arith.addi %mul3A_138, %scan3A_136 : i32
        %dma_start3A_140 = arith.constant 0 : i32
        %dma_start3A_141 = arith.constant 0 : i32
        %dma_start3A_142 = tpu.memref_slice %arg8[%rem3A_106, %scan3A_136, %dma_start3A_140, %dma_start3A_141] : memref<2x25x2x128xf32, #tpu.memory_space<vmem>> -> memref<1x1x1x128xf32, #tpu.memory_space<vmem>>
        %dma_start3A_143 = tpu.memref_squeeze %dma_start3A_142 : memref<1x1x1x128xf32, #tpu.memory_space<vmem>> -> memref<128xf32, #tpu.memory_space<vmem>>
        %dma_start3A_144 = arith.constant 0 : i32
        %dma_start3A_145 = tpu.memref_slice %arg7[%add3A_139, %dma_start3A_144] : memref<200x256xi32, #tpu.memory_space<vmem>> -> memref<1x128xi32, #tpu.memory_space<vmem>>
        %dma_start3A_146 = tpu.memref_squeeze %dma_start3A_145 : memref<1x128xi32, #tpu.memory_space<vmem>> -> memref<128xi32, #tpu.memory_space<vmem>>
        %dma_start3A_147 = arith.constant 0 : i32
        %dma_start3A_148 = tpu.memref_slice %arg5[%dma_start3A_147] : memref<1000000xf32, #tpu.memory_space<vmem_shared>> -> memref<1000000xf32, #tpu.memory_space<vmem_shared>>
        tpu.enqueue_indirect_dma source(%dma_start3A_148 : memref<1000000xf32, #tpu.memory_space<vmem_shared>>) target(%dma_start3A_143 : memref<128xf32, #tpu.memory_space<vmem>>) offsets(%dma_start3A_146 : memref<128xi32, #tpu.memory_space<vmem>>) semaphore(%arg10 : memref<!tpu.dma_semaphore, #tpu.memory_space<semaphore_mem>>)
        %dma_start3A_149 = arith.constant 1 : i32
        %dma_start3A_150 = arith.constant 0 : i32
        %dma_start3A_151 = tpu.memref_slice %arg8[%rem3A_106, %scan3A_136, %dma_start3A_149, %dma_start3A_150] : memref<2x25x2x128xf32, #tpu.memory_space<vmem>> -> memref<1x1x1x128xf32, #tpu.memory_space<vmem>>
        %dma_start3A_152 = tpu.memref_squeeze %dma_start3A_151 : memref<1x1x1x128xf32, #tpu.memory_space<vmem>> -> memref<128xf32, #tpu.memory_space<vmem>>
        %dma_start3A_153 = arith.constant 128 : i32
        %dma_start3A_154 = tpu.memref_slice %arg7[%add3A_139, %dma_start3A_153] : memref<200x256xi32, #tpu.memory_space<vmem>> -> memref<1x128xi32, #tpu.memory_space<vmem>>
        %dma_start3A_155 = tpu.memref_squeeze %dma_start3A_154 : memref<1x128xi32, #tpu.memory_space<vmem>> -> memref<128xi32, #tpu.memory_space<vmem>>
        %dma_start3A_156 = arith.constant 0 : i32
        %dma_start3A_157 = tpu.memref_slice %arg5[%dma_start3A_156] : memref<1000000xf32, #tpu.memory_space<vmem_shared>> -> memref<1000000xf32, #tpu.memory_space<vmem_shared>>
        tpu.enqueue_indirect_dma source(%dma_start3A_157 : memref<1000000xf32, #tpu.memory_space<vmem_shared>>) target(%dma_start3A_152 : memref<128xf32, #tpu.memory_space<vmem>>) offsets(%dma_start3A_155 : memref<128xi32, #tpu.memory_space<vmem>>) semaphore(%arg10 : memref<!tpu.dma_semaphore, #tpu.memory_space<semaphore_mem>>)
        %scan3A_158 = arith.constant 2 : i32
        %mul3A_159 = arith.constant 25 : i32
        %mul3A_160 = arith.muli %scan3A_70, %mul3A_159 : i32
        %add3A_161 = arith.addi %mul3A_160, %scan3A_158 : i32
        %dma_start3A_162 = arith.constant 0 : i32
        %dma_start3A_163 = arith.constant 0 : i32
        %dma_start3A_164 = tpu.memref_slice %arg8[%rem3A_106, %scan3A_158, %dma_start3A_162, %dma_start3A_163] : memref<2x25x2x128xf32, #tpu.memory_space<vmem>> -> memref<1x1x1x128xf32, #tpu.memory_space<vmem>>
        %dma_start3A_165 = tpu.memref_squeeze %dma_start3A_164 : memref<1x1x1x128xf32, #tpu.memory_space<vmem>> -> memref<128xf32, #tpu.memory_space<vmem>>
        %dma_start3A_166 = arith.constant 0 : i32
        %dma_start3A_167 = tpu.memref_slice %arg7[%add3A_161, %dma_start3A_166] : memref<200x256xi32, #tpu.memory_space<vmem>> -> memref<1x128xi32, #tpu.memory_space<vmem>>
        %dma_start3A_168 = tpu.memref_squeeze %dma_start3A_167 : memref<1x128xi32, #tpu.memory_space<vmem>> -> memref<128xi32, #tpu.memory_space<vmem>>
        %dma_start3A_169 = arith.constant 0 : i32
        %dma_start3A_170 = tpu.memref_slice %arg5[%dma_start3A_169] : memref<1000000xf32, #tpu.memory_space<vmem_shared>> -> memref<1000000xf32, #tpu.memory_space<vmem_shared>>
        tpu.enqueue_indirect_dma source(%dma_start3A_170 : memref<1000000xf32, #tpu.memory_space<vmem_shared>>) target(%dma_start3A_165 : memref<128xf32, #tpu.memory_space<vmem>>) offsets(%dma_start3A_168 : memref<128xi32, #tpu.memory_space<vmem>>) semaphore(%arg10 : memref<!tpu.dma_semaphore, #tpu.memory_space<semaphore_mem>>)
        %dma_start3A_171 = arith.constant 1 : i32
        %dma_start3A_172 = arith.constant 0 : i32
        %dma_start3A_173 = tpu.memref_slice %arg8[%rem3A_106, %scan3A_158, %dma_start3A_171, %dma_start3A_172] : memref<2x25x2x128xf32, #tpu.memory_space<vmem>> -> memref<1x1x1x128xf32, #tpu.memory_space<vmem>>
        %dma_start3A_174 = tpu.memref_squeeze %dma_start3A_173 : memref<1x1x1x128xf32, #tpu.memory_space<vmem>> -> memref<128xf32, #tpu.memory_space<vmem>>
        %dma_start3A_175 = arith.constant 128 : i32
        %dma_start3A_176 = tpu.memref_slice %arg7[%add3A_161, %dma_start3A_175] : memref<200x256xi32, #tpu.memory_space<vmem>> -> memref<1x128xi32, #tpu.memory_space<vmem>>
        %dma_start3A_177 = tpu.memref_squeeze %dma_start3A_176 : memref<1x128xi32, #tpu.memory_space<vmem>> -> memref<128xi32, #tpu.memory_space<vmem>>
        %dma_start3A_178 = arith.constant 0 : i32
        %dma_start3A_179 = tpu.memref_slice %arg5[%dma_start3A_178] : memref<1000000xf32, #tpu.memory_space<vmem_shared>> -> memref<1000000xf32, #tpu.memory_space<vmem_shared>>
        tpu.enqueue_indirect_dma source(%dma_start3A_179 : memref<1000000xf32, #tpu.memory_space<vmem_shared>>) target(%dma_start3A_174 : memref<128xf32, #tpu.memory_space<vmem>>) offsets(%dma_start3A_177 : memref<128xi32, #tpu.memory_space<vmem>>) semaphore(%arg10 : memref<!tpu.dma_semaphore, #tpu.memory_space<semaphore_mem>>)
        %scan3A_180 = arith.constant 3 : i32
        %mul3A_181 = arith.constant 25 : i32
        %mul3A_182 = arith.muli %scan3A_70, %mul3A_181 : i32
        %add3A_183 = arith.addi %mul3A_182, %scan3A_180 : i32
        %dma_start3A_184 = arith.constant 0 : i32
        %dma_start3A_185 = arith.constant 0 : i32
        %dma_start3A_186 = tpu.memref_slice %arg8[%rem3A_106, %scan3A_180, %dma_start3A_184, %dma_start3A_185] : memref<2x25x2x128xf32, #tpu.memory_space<vmem>> -> memref<1x1x1x128xf32, #tpu.memory_space<vmem>>
        %dma_start3A_187 = tpu.memref_squeeze %dma_start3A_186 : memref<1x1x1x128xf32, #tpu.memory_space<vmem>> -> memref<128xf32, #tpu.memory_space<vmem>>
        %dma_start3A_188 = arith.constant 0 : i32
        %dma_start3A_189 = tpu.memref_slice %arg7[%add3A_183, %dma_start3A_188] : memref<200x256xi32, #tpu.memory_space<vmem>> -> memref<1x128xi32, #tpu.memory_space<vmem>>
        %dma_start3A_190 = tpu.memref_squeeze %dma_start3A_189 : memref<1x128xi32, #tpu.memory_space<vmem>> -> memref<128xi32, #tpu.memory_space<vmem>>
        %dma_start3A_191 = arith.constant 0 : i32
        %dma_start3A_192 = tpu.memref_slice %arg5[%dma_start3A_191] : memref<1000000xf32, #tpu.memory_space<vmem_shared>> -> memref<1000000xf32, #tpu.memory_space<vmem_shared>>
        tpu.enqueue_indirect_dma source(%dma_start3A_192 : memref<1000000xf32, #tpu.memory_space<vmem_shared>>) target(%dma_start3A_187 : memref<128xf32, #tpu.memory_space<vmem>>) offsets(%dma_start3A_190 : memref<128xi32, #tpu.memory_space<vmem>>) semaphore(%arg10 : memref<!tpu.dma_semaphore, #tpu.memory_space<semaphore_mem>>)
        %dma_start3A_193 = arith.constant 1 : i32
        %dma_start3A_194 = arith.constant 0 : i32
        %dma_start3A_195 = tpu.memref_slice %arg8[%rem3A_106, %scan3A_180, %dma_start3A_193, %dma_start3A_194] : memref<2x25x2x128xf32, #tpu.memory_space<vmem>> -> memref<1x1x1x128xf32, #tpu.memory_space<vmem>>
        %dma_start3A_196 = tpu.memref_squeeze %dma_start3A_195 : memref<1x1x1x128xf32, #tpu.memory_space<vmem>> -> memref<128xf32, #tpu.memory_space<vmem>>
        %dma_start3A_197 = arith.constant 128 : i32
        %dma_start3A_198 = tpu.memref_slice %arg7[%add3A_183, %dma_start3A_197] : memref<200x256xi32, #tpu.memory_space<vmem>> -> memref<1x128xi32, #tpu.memory_space<vmem>>
        %dma_start3A_199 = tpu.memref_squeeze %dma_start3A_198 : memref<1x128xi32, #tpu.memory_space<vmem>> -> memref<128xi32, #tpu.memory_space<vmem>>
        %dma_start3A_200 = arith.constant 0 : i32
        %dma_start3A_201 = tpu.memref_slice %arg5[%dma_start3A_200] : memref<1000000xf32, #tpu.memory_space<vmem_shared>> -> memref<1000000xf32, #tpu.memory_space<vmem_shared>>
        tpu.enqueue_indirect_dma source(%dma_start3A_201 : memref<1000000xf32, #tpu.memory_space<vmem_shared>>) target(%dma_start3A_196 : memref<128xf32, #tpu.memory_space<vmem>>) offsets(%dma_start3A_199 : memref<128xi32, #tpu.memory_space<vmem>>) semaphore(%arg10 : memref<!tpu.dma_semaphore, #tpu.memory_space<semaphore_mem>>)
        %scan3A_202 = arith.constant 4 : i32
        %mul3A_203 = arith.constant 25 : i32
        %mul3A_204 = arith.muli %scan3A_70, %mul3A_203 : i32
        %add3A_205 = arith.addi %mul3A_204, %scan3A_202 : i32
        %dma_start3A_206 = arith.constant 0 : i32
        %dma_start3A_207 = arith.constant 0 : i32
        %dma_start3A_208 = tpu.memref_slice %arg8[%rem3A_106, %scan3A_202, %dma_start3A_206, %dma_start3A_207] : memref<2x25x2x128xf32, #tpu.memory_space<vmem>> -> memref<1x1x1x128xf32, #tpu.memory_space<vmem>>
        %dma_start3A_209 = tpu.memref_squeeze %dma_start3A_208 : memref<1x1x1x128xf32, #tpu.memory_space<vmem>> -> memref<128xf32, #tpu.memory_space<vmem>>
        %dma_start3A_210 = arith.constant 0 : i32
        %dma_start3A_211 = tpu.memref_slice %arg7[%add3A_205, %dma_start3A_210] : memref<200x256xi32, #tpu.memory_space<vmem>> -> memref<1x128xi32, #tpu.memory_space<vmem>>
        %dma_start3A_212 = tpu.memref_squeeze %dma_start3A_211 : memref<1x128xi32, #tpu.memory_space<vmem>> -> memref<128xi32, #tpu.memory_space<vmem>>
        %dma_start3A_213 = arith.constant 0 : i32
        %dma_start3A_214 = tpu.memref_slice %arg5[%dma_start3A_213] : memref<1000000xf32, #tpu.memory_space<vmem_shared>> -> memref<1000000xf32, #tpu.memory_space<vmem_shared>>
        tpu.enqueue_indirect_dma source(%dma_start3A_214 : memref<1000000xf32, #tpu.memory_space<vmem_shared>>) target(%dma_start3A_209 : memref<128xf32, #tpu.memory_space<vmem>>) offsets(%dma_start3A_212 : memref<128xi32, #tpu.memory_space<vmem>>) semaphore(%arg10 : memref<!tpu.dma_semaphore, #tpu.memory_space<semaphore_mem>>)
        %dma_start3A_215 = arith.constant 1 : i32
        %dma_start3A_216 = arith.constant 0 : i32
        %dma_start3A_217 = tpu.memref_slice %arg8[%rem3A_106, %scan3A_202, %dma_start3A_215, %dma_start3A_216] : memref<2x25x2x128xf32, #tpu.memory_space<vmem>> -> memref<1x1x1x128xf32, #tpu.memory_space<vmem>>
        %dma_start3A_218 = tpu.memref_squeeze %dma_start3A_217 : memref<1x1x1x128xf32, #tpu.memory_space<vmem>> -> memref<128xf32, #tpu.memory_space<vmem>>
        %dma_start3A_219 = arith.constant 128 : i32
        %dma_start3A_220 = tpu.memref_slice %arg7[%add3A_205, %dma_start3A_219] : memref<200x256xi32, #tpu.memory_space<vmem>> -> memref<1x128xi32, #tpu.memory_space<vmem>>
        %dma_start3A_221 = tpu.memref_squeeze %dma_start3A_220 : memref<1x128xi32, #tpu.memory_space<vmem>> -> memref<128xi32, #tpu.memory_space<vmem>>
        %dma_start3A_222 = arith.constant 0 : i32
        %dma_start3A_223 = tpu.memref_slice %arg5[%dma_start3A_222] : memref<1000000xf32, #tpu.memory_space<vmem_shared>> -> memref<1000000xf32, #tpu.memory_space<vmem_shared>>
        tpu.enqueue_indirect_dma source(%dma_start3A_223 : memref<1000000xf32, #tpu.memory_space<vmem_shared>>) target(%dma_start3A_218 : memref<128xf32, #tpu.memory_space<vmem>>) offsets(%dma_start3A_221 : memref<128xi32, #tpu.memory_space<vmem>>) semaphore(%arg10 : memref<!tpu.dma_semaphore, #tpu.memory_space<semaphore_mem>>)
        %scan3A_224 = arith.constant 5 : i32
        %mul3A_225 = arith.constant 25 : i32
        %mul3A_226 = arith.muli %scan3A_70, %mul3A_225 : i32
        %add3A_227 = arith.addi %mul3A_226, %scan3A_224 : i32
        %dma_start3A_228 = arith.constant 0 : i32
        %dma_start3A_229 = arith.constant 0 : i32
        %dma_start3A_230 = tpu.memref_slice %arg8[%rem3A_106, %scan3A_224, %dma_start3A_228, %dma_start3A_229] : memref<2x25x2x128xf32, #tpu.memory_space<vmem>> -> memref<1x1x1x128xf32, #tpu.memory_space<vmem>>
        %dma_start3A_231 = tpu.memref_squeeze %dma_start3A_230 : memref<1x1x1x128xf32, #tpu.memory_space<vmem>> -> memref<128xf32, #tpu.memory_space<vmem>>
        %dma_start3A_232 = arith.constant 0 : i32
        %dma_start3A_233 = tpu.memref_slice %arg7[%add3A_227, %dma_start3A_232] : memref<200x256xi32, #tpu.memory_space<vmem>> -> memref<1x128xi32, #tpu.memory_space<vmem>>
        %dma_start3A_234 = tpu.memref_squeeze %dma_start3A_233 : memref<1x128xi32, #tpu.memory_space<vmem>> -> memref<128xi32, #tpu.memory_space<vmem>>
        %dma_start3A_235 = arith.constant 0 : i32
        %dma_start3A_236 = tpu.memref_slice %arg5[%dma_start3A_235] : memref<1000000xf32, #tpu.memory_space<vmem_shared>> -> memref<1000000xf32, #tpu.memory_space<vmem_shared>>
        tpu.enqueue_indirect_dma source(%dma_start3A_236 : memref<1000000xf32, #tpu.memory_space<vmem_shared>>) target(%dma_start3A_231 : memref<128xf32, #tpu.memory_space<vmem>>) offsets(%dma_start3A_234 : memref<128xi32, #tpu.memory_space<vmem>>) semaphore(%arg10 : memref<!tpu.dma_semaphore, #tpu.memory_space<semaphore_mem>>)
        %dma_start3A_237 = arith.constant 1 : i32
        %dma_start3A_238 = arith.constant 0 : i32
        %dma_start3A_239 = tpu.memref_slice %arg8[%rem3A_106, %scan3A_224, %dma_start3A_237, %dma_start3A_238] : memref<2x25x2x128xf32, #tpu.memory_space<vmem>> -> memref<1x1x1x128xf32, #tpu.memory_space<vmem>>
        %dma_start3A_240 = tpu.memref_squeeze %dma_start3A_239 : memref<1x1x1x128xf32, #tpu.memory_space<vmem>> -> memref<128xf32, #tpu.memory_space<vmem>>
        %dma_start3A_241 = arith.constant 128 : i32
        %dma_start3A_242 = tpu.memref_slice %arg7[%add3A_227, %dma_start3A_241] : memref<200x256xi32, #tpu.memory_space<vmem>> -> memref<1x128xi32, #tpu.memory_space<vmem>>
        %dma_start3A_243 = tpu.memref_squeeze %dma_start3A_242 : memref<1x128xi32, #tpu.memory_space<vmem>> -> memref<128xi32, #tpu.memory_space<vmem>>
        %dma_start3A_244 = arith.constant 0 : i32
        %dma_start3A_245 = tpu.memref_slice %arg5[%dma_start3A_244] : memref<1000000xf32, #tpu.memory_space<vmem_shared>> -> memref<1000000xf32, #tpu.memory_space<vmem_shared>>
        tpu.enqueue_indirect_dma source(%dma_start3A_245 : memref<1000000xf32, #tpu.memory_space<vmem_shared>>) target(%dma_start3A_240 : memref<128xf32, #tpu.memory_space<vmem>>) offsets(%dma_start3A_243 : memref<128xi32, #tpu.memory_space<vmem>>) semaphore(%arg10 : memref<!tpu.dma_semaphore, #tpu.memory_space<semaphore_mem>>)
        %scan3A_246 = arith.constant 6 : i32
        %mul3A_247 = arith.constant 25 : i32
        %mul3A_248 = arith.muli %scan3A_70, %mul3A_247 : i32
        %add3A_249 = arith.addi %mul3A_248, %scan3A_246 : i32
        %dma_start3A_250 = arith.constant 0 : i32
        %dma_start3A_251 = arith.constant 0 : i32
        %dma_start3A_252 = tpu.memref_slice %arg8[%rem3A_106, %scan3A_246, %dma_start3A_250, %dma_start3A_251] : memref<2x25x2x128xf32, #tpu.memory_space<vmem>> -> memref<1x1x1x128xf32, #tpu.memory_space<vmem>>
        %dma_start3A_253 = tpu.memref_squeeze %dma_start3A_252 : memref<1x1x1x128xf32, #tpu.memory_space<vmem>> -> memref<128xf32, #tpu.memory_space<vmem>>
        %dma_start3A_254 = arith.constant 0 : i32
        %dma_start3A_255 = tpu.memref_slice %arg7[%add3A_249, %dma_start3A_254] : memref<200x256xi32, #tpu.memory_space<vmem>> -> memref<1x128xi32, #tpu.memory_space<vmem>>
        %dma_start3A_256 = tpu.memref_squeeze %dma_start3A_255 : memref<1x128xi32, #tpu.memory_space<vmem>> -> memref<128xi32, #tpu.memory_space<vmem>>
        %dma_start3A_257 = arith.constant 0 : i32
        %dma_start3A_258 = tpu.memref_slice %arg5[%dma_start3A_257] : memref<1000000xf32, #tpu.memory_space<vmem_shared>> -> memref<1000000xf32, #tpu.memory_space<vmem_shared>>
        tpu.enqueue_indirect_dma source(%dma_start3A_258 : memref<1000000xf32, #tpu.memory_space<vmem_shared>>) target(%dma_start3A_253 : memref<128xf32, #tpu.memory_space<vmem>>) offsets(%dma_start3A_256 : memref<128xi32, #tpu.memory_space<vmem>>) semaphore(%arg10 : memref<!tpu.dma_semaphore, #tpu.memory_space<semaphore_mem>>)
        %dma_start3A_259 = arith.constant 1 : i32
        %dma_start3A_260 = arith.constant 0 : i32
        %dma_start3A_261 = tpu.memref_slice %arg8[%rem3A_106, %scan3A_246, %dma_start3A_259, %dma_start3A_260] : memref<2x25x2x128xf32, #tpu.memory_space<vmem>> -> memref<1x1x1x128xf32, #tpu.memory_space<vmem>>
        %dma_start3A_262 = tpu.memref_squeeze %dma_start3A_261 : memref<1x1x1x128xf32, #tpu.memory_space<vmem>> -> memref<128xf32, #tpu.memory_space<vmem>>
        %dma_start3A_263 = arith.constant 128 : i32
        %dma_start3A_264 = tpu.memref_slice %arg7[%add3A_249, %dma_start3A_263] : memref<200x256xi32, #tpu.memory_space<vmem>> -> memref<1x128xi32, #tpu.memory_space<vmem>>
        %dma_start3A_265 = tpu.memref_squeeze %dma_start3A_264 : memref<1x128xi32, #tpu.memory_space<vmem>> -> memref<128xi32, #tpu.memory_space<vmem>>
        %dma_start3A_266 = arith.constant 0 : i32
        %dma_start3A_267 = tpu.memref_slice %arg5[%dma_start3A_266] : memref<1000000xf32, #tpu.memory_space<vmem_shared>> -> memref<1000000xf32, #tpu.memory_space<vmem_shared>>
        tpu.enqueue_indirect_dma source(%dma_start3A_267 : memref<1000000xf32, #tpu.memory_space<vmem_shared>>) target(%dma_start3A_262 : memref<128xf32, #tpu.memory_space<vmem>>) offsets(%dma_start3A_265 : memref<128xi32, #tpu.memory_space<vmem>>) semaphore(%arg10 : memref<!tpu.dma_semaphore, #tpu.memory_space<semaphore_mem>>)
        %scan3A_268 = arith.constant 7 : i32
        %mul3A_269 = arith.constant 25 : i32
        %mul3A_270 = arith.muli %scan3A_70, %mul3A_269 : i32
        %add3A_271 = arith.addi %mul3A_270, %scan3A_268 : i32
        %dma_start3A_272 = arith.constant 0 : i32
        %dma_start3A_273 = arith.constant 0 : i32
        %dma_start3A_274 = tpu.memref_slice %arg8[%rem3A_106, %scan3A_268, %dma_start3A_272, %dma_start3A_273] : memref<2x25x2x128xf32, #tpu.memory_space<vmem>> -> memref<1x1x1x128xf32, #tpu.memory_space<vmem>>
        %dma_start3A_275 = tpu.memref_squeeze %dma_start3A_274 : memref<1x1x1x128xf32, #tpu.memory_space<vmem>> -> memref<128xf32, #tpu.memory_space<vmem>>
        %dma_start3A_276 = arith.constant 0 : i32
        %dma_start3A_277 = tpu.memref_slice %arg7[%add3A_271, %dma_start3A_276] : memref<200x256xi32, #tpu.memory_space<vmem>> -> memref<1x128xi32, #tpu.memory_space<vmem>>
        %dma_start3A_278 = tpu.memref_squeeze %dma_start3A_277 : memref<1x128xi32, #tpu.memory_space<vmem>> -> memref<128xi32, #tpu.memory_space<vmem>>
        %dma_start3A_279 = arith.constant 0 : i32
        %dma_start3A_280 = tpu.memref_slice %arg5[%dma_start3A_279] : memref<1000000xf32, #tpu.memory_space<vmem_shared>> -> memref<1000000xf32, #tpu.memory_space<vmem_shared>>
        tpu.enqueue_indirect_dma source(%dma_start3A_280 : memref<1000000xf32, #tpu.memory_space<vmem_shared>>) target(%dma_start3A_275 : memref<128xf32, #tpu.memory_space<vmem>>) offsets(%dma_start3A_278 : memref<128xi32, #tpu.memory_space<vmem>>) semaphore(%arg10 : memref<!tpu.dma_semaphore, #tpu.memory_space<semaphore_mem>>)
        %dma_start3A_281 = arith.constant 1 : i32
        %dma_start3A_282 = arith.constant 0 : i32
        %dma_start3A_283 = tpu.memref_slice %arg8[%rem3A_106, %scan3A_268, %dma_start3A_281, %dma_start3A_282] : memref<2x25x2x128xf32, #tpu.memory_space<vmem>> -> memref<1x1x1x128xf32, #tpu.memory_space<vmem>>
        %dma_start3A_284 = tpu.memref_squeeze %dma_start3A_283 : memref<1x1x1x128xf32, #tpu.memory_space<vmem>> -> memref<128xf32, #tpu.memory_space<vmem>>
        %dma_start3A_285 = arith.constant 128 : i32
        %dma_start3A_286 = tpu.memref_slice %arg7[%add3A_271, %dma_start3A_285] : memref<200x256xi32, #tpu.memory_space<vmem>> -> memref<1x128xi32, #tpu.memory_space<vmem>>
        %dma_start3A_287 = tpu.memref_squeeze %dma_start3A_286 : memref<1x128xi32, #tpu.memory_space<vmem>> -> memref<128xi32, #tpu.memory_space<vmem>>
        %dma_start3A_288 = arith.constant 0 : i32
        %dma_start3A_289 = tpu.memref_slice %arg5[%dma_start3A_288] : memref<1000000xf32, #tpu.memory_space<vmem_shared>> -> memref<1000000xf32, #tpu.memory_space<vmem_shared>>
        tpu.enqueue_indirect_dma source(%dma_start3A_289 : memref<1000000xf32, #tpu.memory_space<vmem_shared>>) target(%dma_start3A_284 : memref<128xf32, #tpu.memory_space<vmem>>) offsets(%dma_start3A_287 : memref<128xi32, #tpu.memory_space<vmem>>) semaphore(%arg10 : memref<!tpu.dma_semaphore, #tpu.memory_space<semaphore_mem>>)
        %scan3A_290 = arith.constant 8 : i32
        %mul3A_291 = arith.constant 25 : i32
        %mul3A_292 = arith.muli %scan3A_70, %mul3A_291 : i32
        %add3A_293 = arith.addi %mul3A_292, %scan3A_290 : i32
        %dma_start3A_294 = arith.constant 0 : i32
        %dma_start3A_295 = arith.constant 0 : i32
        %dma_start3A_296 = tpu.memref_slice %arg8[%rem3A_106, %scan3A_290, %dma_start3A_294, %dma_start3A_295] : memref<2x25x2x128xf32, #tpu.memory_space<vmem>> -> memref<1x1x1x128xf32, #tpu.memory_space<vmem>>
        %dma_start3A_297 = tpu.memref_squeeze %dma_start3A_296 : memref<1x1x1x128xf32, #tpu.memory_space<vmem>> -> memref<128xf32, #tpu.memory_space<vmem>>
        %dma_start3A_298 = arith.constant 0 : i32
        %dma_start3A_299 = tpu.memref_slice %arg7[%add3A_293, %dma_start3A_298] : memref<200x256xi32, #tpu.memory_space<vmem>> -> memref<1x128xi32, #tpu.memory_space<vmem>>
        %dma_start3A_300 = tpu.memref_squeeze %dma_start3A_299 : memref<1x128xi32, #tpu.memory_space<vmem>> -> memref<128xi32, #tpu.memory_space<vmem>>
        %dma_start3A_301 = arith.constant 0 : i32
        %dma_start3A_302 = tpu.memref_slice %arg5[%dma_start3A_301] : memref<1000000xf32, #tpu.memory_space<vmem_shared>> -> memref<1000000xf32, #tpu.memory_space<vmem_shared>>
        tpu.enqueue_indirect_dma source(%dma_start3A_302 : memref<1000000xf32, #tpu.memory_space<vmem_shared>>) target(%dma_start3A_297 : memref<128xf32, #tpu.memory_space<vmem>>) offsets(%dma_start3A_300 : memref<128xi32, #tpu.memory_space<vmem>>) semaphore(%arg10 : memref<!tpu.dma_semaphore, #tpu.memory_space<semaphore_mem>>)
        %dma_start3A_303 = arith.constant 1 : i32
        %dma_start3A_304 = arith.constant 0 : i32
        %dma_start3A_305 = tpu.memref_slice %arg8[%rem3A_106, %scan3A_290, %dma_start3A_303, %dma_start3A_304] : memref<2x25x2x128xf32, #tpu.memory_space<vmem>> -> memref<1x1x1x128xf32, #tpu.memory_space<vmem>>
        %dma_start3A_306 = tpu.memref_squeeze %dma_start3A_305 : memref<1x1x1x128xf32, #tpu.memory_space<vmem>> -> memref<128xf32, #tpu.memory_space<vmem>>
        %dma_start3A_307 = arith.constant 128 : i32
        %dma_start3A_308 = tpu.memref_slice %arg7[%add3A_293, %dma_start3A_307] : memref<200x256xi32, #tpu.memory_space<vmem>> -> memref<1x128xi32, #tpu.memory_space<vmem>>
        %dma_start3A_309 = tpu.memref_squeeze %dma_start3A_308 : memref<1x128xi32, #tpu.memory_space<vmem>> -> memref<128xi32, #tpu.memory_space<vmem>>
        %dma_start3A_310 = arith.constant 0 : i32
        %dma_start3A_311 = tpu.memref_slice %arg5[%dma_start3A_310] : memref<1000000xf32, #tpu.memory_space<vmem_shared>> -> memref<1000000xf32, #tpu.memory_space<vmem_shared>>
        tpu.enqueue_indirect_dma source(%dma_start3A_311 : memref<1000000xf32, #tpu.memory_space<vmem_shared>>) target(%dma_start3A_306 : memref<128xf32, #tpu.memory_space<vmem>>) offsets(%dma_start3A_309 : memref<128xi32, #tpu.memory_space<vmem>>) semaphore(%arg10 : memref<!tpu.dma_semaphore, #tpu.memory_space<semaphore_mem>>)
        %scan3A_312 = arith.constant 9 : i32
        %mul3A_313 = arith.constant 25 : i32
        %mul3A_314 = arith.muli %scan3A_70, %mul3A_313 : i32
        %add3A_315 = arith.addi %mul3A_314, %scan3A_312 : i32
        %dma_start3A_316 = arith.constant 0 : i32
        %dma_start3A_317 = arith.constant 0 : i32
        %dma_start3A_318 = tpu.memref_slice %arg8[%rem3A_106, %scan3A_312, %dma_start3A_316, %dma_start3A_317] : memref<2x25x2x128xf32, #tpu.memory_space<vmem>> -> memref<1x1x1x128xf32, #tpu.memory_space<vmem>>
        %dma_start3A_319 = tpu.memref_squeeze %dma_start3A_318 : memref<1x1x1x128xf32, #tpu.memory_space<vmem>> -> memref<128xf32, #tpu.memory_space<vmem>>
        %dma_start3A_320 = arith.constant 0 : i32
        %dma_start3A_321 = tpu.memref_slice %arg7[%add3A_315, %dma_start3A_320] : memref<200x256xi32, #tpu.memory_space<vmem>> -> memref<1x128xi32, #tpu.memory_space<vmem>>
        %dma_start3A_322 = tpu.memref_squeeze %dma_start3A_321 : memref<1x128xi32, #tpu.memory_space<vmem>> -> memref<128xi32, #tpu.memory_space<vmem>>
        %dma_start3A_323 = arith.constant 0 : i32
        %dma_start3A_324 = tpu.memref_slice %arg5[%dma_start3A_323] : memref<1000000xf32, #tpu.memory_space<vmem_shared>> -> memref<1000000xf32, #tpu.memory_space<vmem_shared>>
        tpu.enqueue_indirect_dma source(%dma_start3A_324 : memref<1000000xf32, #tpu.memory_space<vmem_shared>>) target(%dma_start3A_319 : memref<128xf32, #tpu.memory_space<vmem>>) offsets(%dma_start3A_322 : memref<128xi32, #tpu.memory_space<vmem>>) semaphore(%arg10 : memref<!tpu.dma_semaphore, #tpu.memory_space<semaphore_mem>>)
        %dma_start3A_325 = arith.constant 1 : i32
        %dma_start3A_326 = arith.constant 0 : i32
        %dma_start3A_327 = tpu.memref_slice %arg8[%rem3A_106, %scan3A_312, %dma_start3A_325, %dma_start3A_326] : memref<2x25x2x128xf32, #tpu.memory_space<vmem>> -> memref<1x1x1x128xf32, #tpu.memory_space<vmem>>
        %dma_start3A_328 = tpu.memref_squeeze %dma_start3A_327 : memref<1x1x1x128xf32, #tpu.memory_space<vmem>> -> memref<128xf32, #tpu.memory_space<vmem>>
        %dma_start3A_329 = arith.constant 128 : i32
        %dma_start3A_330 = tpu.memref_slice %arg7[%add3A_315, %dma_start3A_329] : memref<200x256xi32, #tpu.memory_space<vmem>> -> memref<1x128xi32, #tpu.memory_space<vmem>>
        %dma_start3A_331 = tpu.memref_squeeze %dma_start3A_330 : memref<1x128xi32, #tpu.memory_space<vmem>> -> memref<128xi32, #tpu.memory_space<vmem>>
        %dma_start3A_332 = arith.constant 0 : i32
        %dma_start3A_333 = tpu.memref_slice %arg5[%dma_start3A_332] : memref<1000000xf32, #tpu.memory_space<vmem_shared>> -> memref<1000000xf32, #tpu.memory_space<vmem_shared>>
        tpu.enqueue_indirect_dma source(%dma_start3A_333 : memref<1000000xf32, #tpu.memory_space<vmem_shared>>) target(%dma_start3A_328 : memref<128xf32, #tpu.memory_space<vmem>>) offsets(%dma_start3A_331 : memref<128xi32, #tpu.memory_space<vmem>>) semaphore(%arg10 : memref<!tpu.dma_semaphore, #tpu.memory_space<semaphore_mem>>)
        %scan3A_334 = arith.constant 10 : i32
        %mul3A_335 = arith.constant 25 : i32
        %mul3A_336 = arith.muli %scan3A_70, %mul3A_335 : i32
        %add3A_337 = arith.addi %mul3A_336, %scan3A_334 : i32
        %dma_start3A_338 = arith.constant 0 : i32
        %dma_start3A_339 = arith.constant 0 : i32
        %dma_start3A_340 = tpu.memref_slice %arg8[%rem3A_106, %scan3A_334, %dma_start3A_338, %dma_start3A_339] : memref<2x25x2x128xf32, #tpu.memory_space<vmem>> -> memref<1x1x1x128xf32, #tpu.memory_space<vmem>>
        %dma_start3A_341 = tpu.memref_squeeze %dma_start3A_340 : memref<1x1x1x128xf32, #tpu.memory_space<vmem>> -> memref<128xf32, #tpu.memory_space<vmem>>
        %dma_start3A_342 = arith.constant 0 : i32
        %dma_start3A_343 = tpu.memref_slice %arg7[%add3A_337, %dma_start3A_342] : memref<200x256xi32, #tpu.memory_space<vmem>> -> memref<1x128xi32, #tpu.memory_space<vmem>>
        %dma_start3A_344 = tpu.memref_squeeze %dma_start3A_343 : memref<1x128xi32, #tpu.memory_space<vmem>> -> memref<128xi32, #tpu.memory_space<vmem>>
        %dma_start3A_345 = arith.constant 0 : i32
        %dma_start3A_346 = tpu.memref_slice %arg5[%dma_start3A_345] : memref<1000000xf32, #tpu.memory_space<vmem_shared>> -> memref<1000000xf32, #tpu.memory_space<vmem_shared>>
        tpu.enqueue_indirect_dma source(%dma_start3A_346 : memref<1000000xf32, #tpu.memory_space<vmem_shared>>) target(%dma_start3A_341 : memref<128xf32, #tpu.memory_space<vmem>>) offsets(%dma_start3A_344 : memref<128xi32, #tpu.memory_space<vmem>>) semaphore(%arg10 : memref<!tpu.dma_semaphore, #tpu.memory_space<semaphore_mem>>)
        %dma_start3A_347 = arith.constant 1 : i32
        %dma_start3A_348 = arith.constant 0 : i32
        %dma_start3A_349 = tpu.memref_slice %arg8[%rem3A_106, %scan3A_334, %dma_start3A_347, %dma_start3A_348] : memref<2x25x2x128xf32, #tpu.memory_space<vmem>> -> memref<1x1x1x128xf32, #tpu.memory_space<vmem>>
        %dma_start3A_350 = tpu.memref_squeeze %dma_start3A_349 : memref<1x1x1x128xf32, #tpu.memory_space<vmem>> -> memref<128xf32, #tpu.memory_space<vmem>>
        %dma_start3A_351 = arith.constant 128 : i32
        %dma_start3A_352 = tpu.memref_slice %arg7[%add3A_337, %dma_start3A_351] : memref<200x256xi32, #tpu.memory_space<vmem>> -> memref<1x128xi32, #tpu.memory_space<vmem>>
        %dma_start3A_353 = tpu.memref_squeeze %dma_start3A_352 : memref<1x128xi32, #tpu.memory_space<vmem>> -> memref<128xi32, #tpu.memory_space<vmem>>
        %dma_start3A_354 = arith.constant 0 : i32
        %dma_start3A_355 = tpu.memref_slice %arg5[%dma_start3A_354] : memref<1000000xf32, #tpu.memory_space<vmem_shared>> -> memref<1000000xf32, #tpu.memory_space<vmem_shared>>
        tpu.enqueue_indirect_dma source(%dma_start3A_355 : memref<1000000xf32, #tpu.memory_space<vmem_shared>>) target(%dma_start3A_350 : memref<128xf32, #tpu.memory_space<vmem>>) offsets(%dma_start3A_353 : memref<128xi32, #tpu.memory_space<vmem>>) semaphore(%arg10 : memref<!tpu.dma_semaphore, #tpu.memory_space<semaphore_mem>>)
        %scan3A_356 = arith.constant 11 : i32
        %mul3A_357 = arith.constant 25 : i32
        %mul3A_358 = arith.muli %scan3A_70, %mul3A_357 : i32
        %add3A_359 = arith.addi %mul3A_358, %scan3A_356 : i32
        %dma_start3A_360 = arith.constant 0 : i32
        %dma_start3A_361 = arith.constant 0 : i32
        %dma_start3A_362 = tpu.memref_slice %arg8[%rem3A_106, %scan3A_356, %dma_start3A_360, %dma_start3A_361] : memref<2x25x2x128xf32, #tpu.memory_space<vmem>> -> memref<1x1x1x128xf32, #tpu.memory_space<vmem>>
        %dma_start3A_363 = tpu.memref_squeeze %dma_start3A_362 : memref<1x1x1x128xf32, #tpu.memory_space<vmem>> -> memref<128xf32, #tpu.memory_space<vmem>>
        %dma_start3A_364 = arith.constant 0 : i32
        %dma_start3A_365 = tpu.memref_slice %arg7[%add3A_359, %dma_start3A_364] : memref<200x256xi32, #tpu.memory_space<vmem>> -> memref<1x128xi32, #tpu.memory_space<vmem>>
        %dma_start3A_366 = tpu.memref_squeeze %dma_start3A_365 : memref<1x128xi32, #tpu.memory_space<vmem>> -> memref<128xi32, #tpu.memory_space<vmem>>
        %dma_start3A_367 = arith.constant 0 : i32
        %dma_start3A_368 = tpu.memref_slice %arg5[%dma_start3A_367] : memref<1000000xf32, #tpu.memory_space<vmem_shared>> -> memref<1000000xf32, #tpu.memory_space<vmem_shared>>
        tpu.enqueue_indirect_dma source(%dma_start3A_368 : memref<1000000xf32, #tpu.memory_space<vmem_shared>>) target(%dma_start3A_363 : memref<128xf32, #tpu.memory_space<vmem>>) offsets(%dma_start3A_366 : memref<128xi32, #tpu.memory_space<vmem>>) semaphore(%arg10 : memref<!tpu.dma_semaphore, #tpu.memory_space<semaphore_mem>>)
        %dma_start3A_369 = arith.constant 1 : i32
        %dma_start3A_370 = arith.constant 0 : i32
        %dma_start3A_371 = tpu.memref_slice %arg8[%rem3A_106, %scan3A_356, %dma_start3A_369, %dma_start3A_370] : memref<2x25x2x128xf32, #tpu.memory_space<vmem>> -> memref<1x1x1x128xf32, #tpu.memory_space<vmem>>
        %dma_start3A_372 = tpu.memref_squeeze %dma_start3A_371 : memref<1x1x1x128xf32, #tpu.memory_space<vmem>> -> memref<128xf32, #tpu.memory_space<vmem>>
        %dma_start3A_373 = arith.constant 128 : i32
        %dma_start3A_374 = tpu.memref_slice %arg7[%add3A_359, %dma_start3A_373] : memref<200x256xi32, #tpu.memory_space<vmem>> -> memref<1x128xi32, #tpu.memory_space<vmem>>
        %dma_start3A_375 = tpu.memref_squeeze %dma_start3A_374 : memref<1x128xi32, #tpu.memory_space<vmem>> -> memref<128xi32, #tpu.memory_space<vmem>>
        %dma_start3A_376 = arith.constant 0 : i32
        %dma_start3A_377 = tpu.memref_slice %arg5[%dma_start3A_376] : memref<1000000xf32, #tpu.memory_space<vmem_shared>> -> memref<1000000xf32, #tpu.memory_space<vmem_shared>>
        tpu.enqueue_indirect_dma source(%dma_start3A_377 : memref<1000000xf32, #tpu.memory_space<vmem_shared>>) target(%dma_start3A_372 : memref<128xf32, #tpu.memory_space<vmem>>) offsets(%dma_start3A_375 : memref<128xi32, #tpu.memory_space<vmem>>) semaphore(%arg10 : memref<!tpu.dma_semaphore, #tpu.memory_space<semaphore_mem>>)
        %scan3A_378 = arith.constant 12 : i32
        %mul3A_379 = arith.constant 25 : i32
        %mul3A_380 = arith.muli %scan3A_70, %mul3A_379 : i32
        %add3A_381 = arith.addi %mul3A_380, %scan3A_378 : i32
        %dma_start3A_382 = arith.constant 0 : i32
        %dma_start3A_383 = arith.constant 0 : i32
        %dma_start3A_384 = tpu.memref_slice %arg8[%rem3A_106, %scan3A_378, %dma_start3A_382, %dma_start3A_383] : memref<2x25x2x128xf32, #tpu.memory_space<vmem>> -> memref<1x1x1x128xf32, #tpu.memory_space<vmem>>
        %dma_start3A_385 = tpu.memref_squeeze %dma_start3A_384 : memref<1x1x1x128xf32, #tpu.memory_space<vmem>> -> memref<128xf32, #tpu.memory_space<vmem>>
        %dma_start3A_386 = arith.constant 0 : i32
        %dma_start3A_387 = tpu.memref_slice %arg7[%add3A_381, %dma_start3A_386] : memref<200x256xi32, #tpu.memory_space<vmem>> -> memref<1x128xi32, #tpu.memory_space<vmem>>
        %dma_start3A_388 = tpu.memref_squeeze %dma_start3A_387 : memref<1x128xi32, #tpu.memory_space<vmem>> -> memref<128xi32, #tpu.memory_space<vmem>>
        %dma_start3A_389 = arith.constant 0 : i32
        %dma_start3A_390 = tpu.memref_slice %arg5[%dma_start3A_389] : memref<1000000xf32, #tpu.memory_space<vmem_shared>> -> memref<1000000xf32, #tpu.memory_space<vmem_shared>>
        tpu.enqueue_indirect_dma source(%dma_start3A_390 : memref<1000000xf32, #tpu.memory_space<vmem_shared>>) target(%dma_start3A_385 : memref<128xf32, #tpu.memory_space<vmem>>) offsets(%dma_start3A_388 : memref<128xi32, #tpu.memory_space<vmem>>) semaphore(%arg10 : memref<!tpu.dma_semaphore, #tpu.memory_space<semaphore_mem>>)
        %dma_start3A_391 = arith.constant 1 : i32
        %dma_start3A_392 = arith.constant 0 : i32
        %dma_start3A_393 = tpu.memref_slice %arg8[%rem3A_106, %scan3A_378, %dma_start3A_391, %dma_start3A_392] : memref<2x25x2x128xf32, #tpu.memory_space<vmem>> -> memref<1x1x1x128xf32, #tpu.memory_space<vmem>>
        %dma_start3A_394 = tpu.memref_squeeze %dma_start3A_393 : memref<1x1x1x128xf32, #tpu.memory_space<vmem>> -> memref<128xf32, #tpu.memory_space<vmem>>
        %dma_start3A_395 = arith.constant 128 : i32
        %dma_start3A_396 = tpu.memref_slice %arg7[%add3A_381, %dma_start3A_395] : memref<200x256xi32, #tpu.memory_space<vmem>> -> memref<1x128xi32, #tpu.memory_space<vmem>>
        %dma_start3A_397 = tpu.memref_squeeze %dma_start3A_396 : memref<1x128xi32, #tpu.memory_space<vmem>> -> memref<128xi32, #tpu.memory_space<vmem>>
        %dma_start3A_398 = arith.constant 0 : i32
        %dma_start3A_399 = tpu.memref_slice %arg5[%dma_start3A_398] : memref<1000000xf32, #tpu.memory_space<vmem_shared>> -> memref<1000000xf32, #tpu.memory_space<vmem_shared>>
        tpu.enqueue_indirect_dma source(%dma_start3A_399 : memref<1000000xf32, #tpu.memory_space<vmem_shared>>) target(%dma_start3A_394 : memref<128xf32, #tpu.memory_space<vmem>>) offsets(%dma_start3A_397 : memref<128xi32, #tpu.memory_space<vmem>>) semaphore(%arg10 : memref<!tpu.dma_semaphore, #tpu.memory_space<semaphore_mem>>)
        %scan3A_400 = arith.constant 13 : i32
        %mul3A_401 = arith.constant 25 : i32
        %mul3A_402 = arith.muli %scan3A_70, %mul3A_401 : i32
        %add3A_403 = arith.addi %mul3A_402, %scan3A_400 : i32
        %dma_start3A_404 = arith.constant 0 : i32
        %dma_start3A_405 = arith.constant 0 : i32
        %dma_start3A_406 = tpu.memref_slice %arg8[%rem3A_106, %scan3A_400, %dma_start3A_404, %dma_start3A_405] : memref<2x25x2x128xf32, #tpu.memory_space<vmem>> -> memref<1x1x1x128xf32, #tpu.memory_space<vmem>>
        %dma_start3A_407 = tpu.memref_squeeze %dma_start3A_406 : memref<1x1x1x128xf32, #tpu.memory_space<vmem>> -> memref<128xf32, #tpu.memory_space<vmem>>
        %dma_start3A_408 = arith.constant 0 : i32
        %dma_start3A_409 = tpu.memref_slice %arg7[%add3A_403, %dma_start3A_408] : memref<200x256xi32, #tpu.memory_space<vmem>> -> memref<1x128xi32, #tpu.memory_space<vmem>>
        %dma_start3A_410 = tpu.memref_squeeze %dma_start3A_409 : memref<1x128xi32, #tpu.memory_space<vmem>> -> memref<128xi32, #tpu.memory_space<vmem>>
        %dma_start3A_411 = arith.constant 0 : i32
        %dma_start3A_412 = tpu.memref_slice %arg5[%dma_start3A_411] : memref<1000000xf32, #tpu.memory_space<vmem_shared>> -> memref<1000000xf32, #tpu.memory_space<vmem_shared>>
        tpu.enqueue_indirect_dma source(%dma_start3A_412 : memref<1000000xf32, #tpu.memory_space<vmem_shared>>) target(%dma_start3A_407 : memref<128xf32, #tpu.memory_space<vmem>>) offsets(%dma_start3A_410 : memref<128xi32, #tpu.memory_space<vmem>>) semaphore(%arg10 : memref<!tpu.dma_semaphore, #tpu.memory_space<semaphore_mem>>)
        %dma_start3A_413 = arith.constant 1 : i32
        %dma_start3A_414 = arith.constant 0 : i32
        %dma_start3A_415 = tpu.memref_slice %arg8[%rem3A_106, %scan3A_400, %dma_start3A_413, %dma_start3A_414] : memref<2x25x2x128xf32, #tpu.memory_space<vmem>> -> memref<1x1x1x128xf32, #tpu.memory_space<vmem>>
        %dma_start3A_416 = tpu.memref_squeeze %dma_start3A_415 : memref<1x1x1x128xf32, #tpu.memory_space<vmem>> -> memref<128xf32, #tpu.memory_space<vmem>>
        %dma_start3A_417 = arith.constant 128 : i32
        %dma_start3A_418 = tpu.memref_slice %arg7[%add3A_403, %dma_start3A_417] : memref<200x256xi32, #tpu.memory_space<vmem>> -> memref<1x128xi32, #tpu.memory_space<vmem>>
        %dma_start3A_419 = tpu.memref_squeeze %dma_start3A_418 : memref<1x128xi32, #tpu.memory_space<vmem>> -> memref<128xi32, #tpu.memory_space<vmem>>
        %dma_start3A_420 = arith.constant 0 : i32
        %dma_start3A_421 = tpu.memref_slice %arg5[%dma_start3A_420] : memref<1000000xf32, #tpu.memory_space<vmem_shared>> -> memref<1000000xf32, #tpu.memory_space<vmem_shared>>
        tpu.enqueue_indirect_dma source(%dma_start3A_421 : memref<1000000xf32, #tpu.memory_space<vmem_shared>>) target(%dma_start3A_416 : memref<128xf32, #tpu.memory_space<vmem>>) offsets(%dma_start3A_419 : memref<128xi32, #tpu.memory_space<vmem>>) semaphore(%arg10 : memref<!tpu.dma_semaphore, #tpu.memory_space<semaphore_mem>>)
        %scan3A_422 = arith.constant 14 : i32
        %mul3A_423 = arith.constant 25 : i32
        %mul3A_424 = arith.muli %scan3A_70, %mul3A_423 : i32
        %add3A_425 = arith.addi %mul3A_424, %scan3A_422 : i32
        %dma_start3A_426 = arith.constant 0 : i32
        %dma_start3A_427 = arith.constant 0 : i32
        %dma_start3A_428 = tpu.memref_slice %arg8[%rem3A_106, %scan3A_422, %dma_start3A_426, %dma_start3A_427] : memref<2x25x2x128xf32, #tpu.memory_space<vmem>> -> memref<1x1x1x128xf32, #tpu.memory_space<vmem>>
        %dma_start3A_429 = tpu.memref_squeeze %dma_start3A_428 : memref<1x1x1x128xf32, #tpu.memory_space<vmem>> -> memref<128xf32, #tpu.memory_space<vmem>>
        %dma_start3A_430 = arith.constant 0 : i32
        %dma_start3A_431 = tpu.memref_slice %arg7[%add3A_425, %dma_start3A_430] : memref<200x256xi32, #tpu.memory_space<vmem>> -> memref<1x128xi32, #tpu.memory_space<vmem>>
        %dma_start3A_432 = tpu.memref_squeeze %dma_start3A_431 : memref<1x128xi32, #tpu.memory_space<vmem>> -> memref<128xi32, #tpu.memory_space<vmem>>
        %dma_start3A_433 = arith.constant 0 : i32
        %dma_start3A_434 = tpu.memref_slice %arg5[%dma_start3A_433] : memref<1000000xf32, #tpu.memory_space<vmem_shared>> -> memref<1000000xf32, #tpu.memory_space<vmem_shared>>
        tpu.enqueue_indirect_dma source(%dma_start3A_434 : memref<1000000xf32, #tpu.memory_space<vmem_shared>>) target(%dma_start3A_429 : memref<128xf32, #tpu.memory_space<vmem>>) offsets(%dma_start3A_432 : memref<128xi32, #tpu.memory_space<vmem>>) semaphore(%arg10 : memref<!tpu.dma_semaphore, #tpu.memory_space<semaphore_mem>>)
        %dma_start3A_435 = arith.constant 1 : i32
        %dma_start3A_436 = arith.constant 0 : i32
        %dma_start3A_437 = tpu.memref_slice %arg8[%rem3A_106, %scan3A_422, %dma_start3A_435, %dma_start3A_436] : memref<2x25x2x128xf32, #tpu.memory_space<vmem>> -> memref<1x1x1x128xf32, #tpu.memory_space<vmem>>
        %dma_start3A_438 = tpu.memref_squeeze %dma_start3A_437 : memref<1x1x1x128xf32, #tpu.memory_space<vmem>> -> memref<128xf32, #tpu.memory_space<vmem>>
        %dma_start3A_439 = arith.constant 128 : i32
        %dma_start3A_440 = tpu.memref_slice %arg7[%add3A_425, %dma_start3A_439] : memref<200x256xi32, #tpu.memory_space<vmem>> -> memref<1x128xi32, #tpu.memory_space<vmem>>
        %dma_start3A_441 = tpu.memref_squeeze %dma_start3A_440 : memref<1x128xi32, #tpu.memory_space<vmem>> -> memref<128xi32, #tpu.memory_space<vmem>>
        %dma_start3A_442 = arith.constant 0 : i32
        %dma_start3A_443 = tpu.memref_slice %arg5[%dma_start3A_442] : memref<1000000xf32, #tpu.memory_space<vmem_shared>> -> memref<1000000xf32, #tpu.memory_space<vmem_shared>>
        tpu.enqueue_indirect_dma source(%dma_start3A_443 : memref<1000000xf32, #tpu.memory_space<vmem_shared>>) target(%dma_start3A_438 : memref<128xf32, #tpu.memory_space<vmem>>) offsets(%dma_start3A_441 : memref<128xi32, #tpu.memory_space<vmem>>) semaphore(%arg10 : memref<!tpu.dma_semaphore, #tpu.memory_space<semaphore_mem>>)
        %scan3A_444 = arith.constant 15 : i32
        %mul3A_445 = arith.constant 25 : i32
        %mul3A_446 = arith.muli %scan3A_70, %mul3A_445 : i32
        %add3A_447 = arith.addi %mul3A_446, %scan3A_444 : i32
        %dma_start3A_448 = arith.constant 0 : i32
        %dma_start3A_449 = arith.constant 0 : i32
        %dma_start3A_450 = tpu.memref_slice %arg8[%rem3A_106, %scan3A_444, %dma_start3A_448, %dma_start3A_449] : memref<2x25x2x128xf32, #tpu.memory_space<vmem>> -> memref<1x1x1x128xf32, #tpu.memory_space<vmem>>
        %dma_start3A_451 = tpu.memref_squeeze %dma_start3A_450 : memref<1x1x1x128xf32, #tpu.memory_space<vmem>> -> memref<128xf32, #tpu.memory_space<vmem>>
        %dma_start3A_452 = arith.constant 0 : i32
        %dma_start3A_453 = tpu.memref_slice %arg7[%add3A_447, %dma_start3A_452] : memref<200x256xi32, #tpu.memory_space<vmem>> -> memref<1x128xi32, #tpu.memory_space<vmem>>
        %dma_start3A_454 = tpu.memref_squeeze %dma_start3A_453 : memref<1x128xi32, #tpu.memory_space<vmem>> -> memref<128xi32, #tpu.memory_space<vmem>>
        %dma_start3A_455 = arith.constant 0 : i32
        %dma_start3A_456 = tpu.memref_slice %arg5[%dma_start3A_455] : memref<1000000xf32, #tpu.memory_space<vmem_shared>> -> memref<1000000xf32, #tpu.memory_space<vmem_shared>>
        tpu.enqueue_indirect_dma source(%dma_start3A_456 : memref<1000000xf32, #tpu.memory_space<vmem_shared>>) target(%dma_start3A_451 : memref<128xf32, #tpu.memory_space<vmem>>) offsets(%dma_start3A_454 : memref<128xi32, #tpu.memory_space<vmem>>) semaphore(%arg10 : memref<!tpu.dma_semaphore, #tpu.memory_space<semaphore_mem>>)
        %dma_start3A_457 = arith.constant 1 : i32
        %dma_start3A_458 = arith.constant 0 : i32
        %dma_start3A_459 = tpu.memref_slice %arg8[%rem3A_106, %scan3A_444, %dma_start3A_457, %dma_start3A_458] : memref<2x25x2x128xf32, #tpu.memory_space<vmem>> -> memref<1x1x1x128xf32, #tpu.memory_space<vmem>>
        %dma_start3A_460 = tpu.memref_squeeze %dma_start3A_459 : memref<1x1x1x128xf32, #tpu.memory_space<vmem>> -> memref<128xf32, #tpu.memory_space<vmem>>
        %dma_start3A_461 = arith.constant 128 : i32
        %dma_start3A_462 = tpu.memref_slice %arg7[%add3A_447, %dma_start3A_461] : memref<200x256xi32, #tpu.memory_space<vmem>> -> memref<1x128xi32, #tpu.memory_space<vmem>>
        %dma_start3A_463 = tpu.memref_squeeze %dma_start3A_462 : memref<1x128xi32, #tpu.memory_space<vmem>> -> memref<128xi32, #tpu.memory_space<vmem>>
        %dma_start3A_464 = arith.constant 0 : i32
        %dma_start3A_465 = tpu.memref_slice %arg5[%dma_start3A_464] : memref<1000000xf32, #tpu.memory_space<vmem_shared>> -> memref<1000000xf32, #tpu.memory_space<vmem_shared>>
        tpu.enqueue_indirect_dma source(%dma_start3A_465 : memref<1000000xf32, #tpu.memory_space<vmem_shared>>) target(%dma_start3A_460 : memref<128xf32, #tpu.memory_space<vmem>>) offsets(%dma_start3A_463 : memref<128xi32, #tpu.memory_space<vmem>>) semaphore(%arg10 : memref<!tpu.dma_semaphore, #tpu.memory_space<semaphore_mem>>)
        %scan3A_466 = arith.constant 16 : i32
        %mul3A_467 = arith.constant 25 : i32
        %mul3A_468 = arith.muli %scan3A_70, %mul3A_467 : i32
        %add3A_469 = arith.addi %mul3A_468, %scan3A_466 : i32
        %dma_start3A_470 = arith.constant 0 : i32
        %dma_start3A_471 = arith.constant 0 : i32
        %dma_start3A_472 = tpu.memref_slice %arg8[%rem3A_106, %scan3A_466, %dma_start3A_470, %dma_start3A_471] : memref<2x25x2x128xf32, #tpu.memory_space<vmem>> -> memref<1x1x1x128xf32, #tpu.memory_space<vmem>>
        %dma_start3A_473 = tpu.memref_squeeze %dma_start3A_472 : memref<1x1x1x128xf32, #tpu.memory_space<vmem>> -> memref<128xf32, #tpu.memory_space<vmem>>
        %dma_start3A_474 = arith.constant 0 : i32
        %dma_start3A_475 = tpu.memref_slice %arg7[%add3A_469, %dma_start3A_474] : memref<200x256xi32, #tpu.memory_space<vmem>> -> memref<1x128xi32, #tpu.memory_space<vmem>>
        %dma_start3A_476 = tpu.memref_squeeze %dma_start3A_475 : memref<1x128xi32, #tpu.memory_space<vmem>> -> memref<128xi32, #tpu.memory_space<vmem>>
        %dma_start3A_477 = arith.constant 0 : i32
        %dma_start3A_478 = tpu.memref_slice %arg5[%dma_start3A_477] : memref<1000000xf32, #tpu.memory_space<vmem_shared>> -> memref<1000000xf32, #tpu.memory_space<vmem_shared>>
        tpu.enqueue_indirect_dma source(%dma_start3A_478 : memref<1000000xf32, #tpu.memory_space<vmem_shared>>) target(%dma_start3A_473 : memref<128xf32, #tpu.memory_space<vmem>>) offsets(%dma_start3A_476 : memref<128xi32, #tpu.memory_space<vmem>>) semaphore(%arg10 : memref<!tpu.dma_semaphore, #tpu.memory_space<semaphore_mem>>)
        %dma_start3A_479 = arith.constant 1 : i32
        %dma_start3A_480 = arith.constant 0 : i32
        %dma_start3A_481 = tpu.memref_slice %arg8[%rem3A_106, %scan3A_466, %dma_start3A_479, %dma_start3A_480] : memref<2x25x2x128xf32, #tpu.memory_space<vmem>> -> memref<1x1x1x128xf32, #tpu.memory_space<vmem>>
        %dma_start3A_482 = tpu.memref_squeeze %dma_start3A_481 : memref<1x1x1x128xf32, #tpu.memory_space<vmem>> -> memref<128xf32, #tpu.memory_space<vmem>>
        %dma_start3A_483 = arith.constant 128 : i32
        %dma_start3A_484 = tpu.memref_slice %arg7[%add3A_469, %dma_start3A_483] : memref<200x256xi32, #tpu.memory_space<vmem>> -> memref<1x128xi32, #tpu.memory_space<vmem>>
        %dma_start3A_485 = tpu.memref_squeeze %dma_start3A_484 : memref<1x128xi32, #tpu.memory_space<vmem>> -> memref<128xi32, #tpu.memory_space<vmem>>
        %dma_start3A_486 = arith.constant 0 : i32
        %dma_start3A_487 = tpu.memref_slice %arg5[%dma_start3A_486] : memref<1000000xf32, #tpu.memory_space<vmem_shared>> -> memref<1000000xf32, #tpu.memory_space<vmem_shared>>
        tpu.enqueue_indirect_dma source(%dma_start3A_487 : memref<1000000xf32, #tpu.memory_space<vmem_shared>>) target(%dma_start3A_482 : memref<128xf32, #tpu.memory_space<vmem>>) offsets(%dma_start3A_485 : memref<128xi32, #tpu.memory_space<vmem>>) semaphore(%arg10 : memref<!tpu.dma_semaphore, #tpu.memory_space<semaphore_mem>>)
        %scan3A_488 = arith.constant 17 : i32
        %mul3A_489 = arith.constant 25 : i32
        %mul3A_490 = arith.muli %scan3A_70, %mul3A_489 : i32
        %add3A_491 = arith.addi %mul3A_490, %scan3A_488 : i32
        %dma_start3A_492 = arith.constant 0 : i32
        %dma_start3A_493 = arith.constant 0 : i32
        %dma_start3A_494 = tpu.memref_slice %arg8[%rem3A_106, %scan3A_488, %dma_start3A_492, %dma_start3A_493] : memref<2x25x2x128xf32, #tpu.memory_space<vmem>> -> memref<1x1x1x128xf32, #tpu.memory_space<vmem>>
        %dma_start3A_495 = tpu.memref_squeeze %dma_start3A_494 : memref<1x1x1x128xf32, #tpu.memory_space<vmem>> -> memref<128xf32, #tpu.memory_space<vmem>>
        %dma_start3A_496 = arith.constant 0 : i32
        %dma_start3A_497 = tpu.memref_slice %arg7[%add3A_491, %dma_start3A_496] : memref<200x256xi32, #tpu.memory_space<vmem>> -> memref<1x128xi32, #tpu.memory_space<vmem>>
        %dma_start3A_498 = tpu.memref_squeeze %dma_start3A_497 : memref<1x128xi32, #tpu.memory_space<vmem>> -> memref<128xi32, #tpu.memory_space<vmem>>
        %dma_start3A_499 = arith.constant 0 : i32
        %dma_start3A_500 = tpu.memref_slice %arg5[%dma_start3A_499] : memref<1000000xf32, #tpu.memory_space<vmem_shared>> -> memref<1000000xf32, #tpu.memory_space<vmem_shared>>
        tpu.enqueue_indirect_dma source(%dma_start3A_500 : memref<1000000xf32, #tpu.memory_space<vmem_shared>>) target(%dma_start3A_495 : memref<128xf32, #tpu.memory_space<vmem>>) offsets(%dma_start3A_498 : memref<128xi32, #tpu.memory_space<vmem>>) semaphore(%arg10 : memref<!tpu.dma_semaphore, #tpu.memory_space<semaphore_mem>>)
        %dma_start3A_501 = arith.constant 1 : i32
        %dma_start3A_502 = arith.constant 0 : i32
        %dma_start3A_503 = tpu.memref_slice %arg8[%rem3A_106, %scan3A_488, %dma_start3A_501, %dma_start3A_502] : memref<2x25x2x128xf32, #tpu.memory_space<vmem>> -> memref<1x1x1x128xf32, #tpu.memory_space<vmem>>
        %dma_start3A_504 = tpu.memref_squeeze %dma_start3A_503 : memref<1x1x1x128xf32, #tpu.memory_space<vmem>> -> memref<128xf32, #tpu.memory_space<vmem>>
        %dma_start3A_505 = arith.constant 128 : i32
        %dma_start3A_506 = tpu.memref_slice %arg7[%add3A_491, %dma_start3A_505] : memref<200x256xi32, #tpu.memory_space<vmem>> -> memref<1x128xi32, #tpu.memory_space<vmem>>
        %dma_start3A_507 = tpu.memref_squeeze %dma_start3A_506 : memref<1x128xi32, #tpu.memory_space<vmem>> -> memref<128xi32, #tpu.memory_space<vmem>>
        %dma_start3A_508 = arith.constant 0 : i32
        %dma_start3A_509 = tpu.memref_slice %arg5[%dma_start3A_508] : memref<1000000xf32, #tpu.memory_space<vmem_shared>> -> memref<1000000xf32, #tpu.memory_space<vmem_shared>>
        tpu.enqueue_indirect_dma source(%dma_start3A_509 : memref<1000000xf32, #tpu.memory_space<vmem_shared>>) target(%dma_start3A_504 : memref<128xf32, #tpu.memory_space<vmem>>) offsets(%dma_start3A_507 : memref<128xi32, #tpu.memory_space<vmem>>) semaphore(%arg10 : memref<!tpu.dma_semaphore, #tpu.memory_space<semaphore_mem>>)
        %scan3A_510 = arith.constant 18 : i32
        %mul3A_511 = arith.constant 25 : i32
        %mul3A_512 = arith.muli %scan3A_70, %mul3A_511 : i32
        %add3A_513 = arith.addi %mul3A_512, %scan3A_510 : i32
        %dma_start3A_514 = arith.constant 0 : i32
        %dma_start3A_515 = arith.constant 0 : i32
        %dma_start3A_516 = tpu.memref_slice %arg8[%rem3A_106, %scan3A_510, %dma_start3A_514, %dma_start3A_515] : memref<2x25x2x128xf32, #tpu.memory_space<vmem>> -> memref<1x1x1x128xf32, #tpu.memory_space<vmem>>
        %dma_start3A_517 = tpu.memref_squeeze %dma_start3A_516 : memref<1x1x1x128xf32, #tpu.memory_space<vmem>> -> memref<128xf32, #tpu.memory_space<vmem>>
        %dma_start3A_518 = arith.constant 0 : i32
        %dma_start3A_519 = tpu.memref_slice %arg7[%add3A_513, %dma_start3A_518] : memref<200x256xi32, #tpu.memory_space<vmem>> -> memref<1x128xi32, #tpu.memory_space<vmem>>
        %dma_start3A_520 = tpu.memref_squeeze %dma_start3A_519 : memref<1x128xi32, #tpu.memory_space<vmem>> -> memref<128xi32, #tpu.memory_space<vmem>>
        %dma_start3A_521 = arith.constant 0 : i32
        %dma_start3A_522 = tpu.memref_slice %arg5[%dma_start3A_521] : memref<1000000xf32, #tpu.memory_space<vmem_shared>> -> memref<1000000xf32, #tpu.memory_space<vmem_shared>>
        tpu.enqueue_indirect_dma source(%dma_start3A_522 : memref<1000000xf32, #tpu.memory_space<vmem_shared>>) target(%dma_start3A_517 : memref<128xf32, #tpu.memory_space<vmem>>) offsets(%dma_start3A_520 : memref<128xi32, #tpu.memory_space<vmem>>) semaphore(%arg10 : memref<!tpu.dma_semaphore, #tpu.memory_space<semaphore_mem>>)
        %dma_start3A_523 = arith.constant 1 : i32
        %dma_start3A_524 = arith.constant 0 : i32
        %dma_start3A_525 = tpu.memref_slice %arg8[%rem3A_106, %scan3A_510, %dma_start3A_523, %dma_start3A_524] : memref<2x25x2x128xf32, #tpu.memory_space<vmem>> -> memref<1x1x1x128xf32, #tpu.memory_space<vmem>>
        %dma_start3A_526 = tpu.memref_squeeze %dma_start3A_525 : memref<1x1x1x128xf32, #tpu.memory_space<vmem>> -> memref<128xf32, #tpu.memory_space<vmem>>
        %dma_start3A_527 = arith.constant 128 : i32
        %dma_start3A_528 = tpu.memref_slice %arg7[%add3A_513, %dma_start3A_527] : memref<200x256xi32, #tpu.memory_space<vmem>> -> memref<1x128xi32, #tpu.memory_space<vmem>>
        %dma_start3A_529 = tpu.memref_squeeze %dma_start3A_528 : memref<1x128xi32, #tpu.memory_space<vmem>> -> memref<128xi32, #tpu.memory_space<vmem>>
        %dma_start3A_530 = arith.constant 0 : i32
        %dma_start3A_531 = tpu.memref_slice %arg5[%dma_start3A_530] : memref<1000000xf32, #tpu.memory_space<vmem_shared>> -> memref<1000000xf32, #tpu.memory_space<vmem_shared>>
        tpu.enqueue_indirect_dma source(%dma_start3A_531 : memref<1000000xf32, #tpu.memory_space<vmem_shared>>) target(%dma_start3A_526 : memref<128xf32, #tpu.memory_space<vmem>>) offsets(%dma_start3A_529 : memref<128xi32, #tpu.memory_space<vmem>>) semaphore(%arg10 : memref<!tpu.dma_semaphore, #tpu.memory_space<semaphore_mem>>)
        %scan3A_532 = arith.constant 19 : i32
        %mul3A_533 = arith.constant 25 : i32
        %mul3A_534 = arith.muli %scan3A_70, %mul3A_533 : i32
        %add3A_535 = arith.addi %mul3A_534, %scan3A_532 : i32
        %dma_start3A_536 = arith.constant 0 : i32
        %dma_start3A_537 = arith.constant 0 : i32
        %dma_start3A_538 = tpu.memref_slice %arg8[%rem3A_106, %scan3A_532, %dma_start3A_536, %dma_start3A_537] : memref<2x25x2x128xf32, #tpu.memory_space<vmem>> -> memref<1x1x1x128xf32, #tpu.memory_space<vmem>>
        %dma_start3A_539 = tpu.memref_squeeze %dma_start3A_538 : memref<1x1x1x128xf32, #tpu.memory_space<vmem>> -> memref<128xf32, #tpu.memory_space<vmem>>
        %dma_start3A_540 = arith.constant 0 : i32
        %dma_start3A_541 = tpu.memref_slice %arg7[%add3A_535, %dma_start3A_540] : memref<200x256xi32, #tpu.memory_space<vmem>> -> memref<1x128xi32, #tpu.memory_space<vmem>>
        %dma_start3A_542 = tpu.memref_squeeze %dma_start3A_541 : memref<1x128xi32, #tpu.memory_space<vmem>> -> memref<128xi32, #tpu.memory_space<vmem>>
        %dma_start3A_543 = arith.constant 0 : i32
        %dma_start3A_544 = tpu.memref_slice %arg5[%dma_start3A_543] : memref<1000000xf32, #tpu.memory_space<vmem_shared>> -> memref<1000000xf32, #tpu.memory_space<vmem_shared>>
        tpu.enqueue_indirect_dma source(%dma_start3A_544 : memref<1000000xf32, #tpu.memory_space<vmem_shared>>) target(%dma_start3A_539 : memref<128xf32, #tpu.memory_space<vmem>>) offsets(%dma_start3A_542 : memref<128xi32, #tpu.memory_space<vmem>>) semaphore(%arg10 : memref<!tpu.dma_semaphore, #tpu.memory_space<semaphore_mem>>)
        %dma_start3A_545 = arith.constant 1 : i32
        %dma_start3A_546 = arith.constant 0 : i32
        %dma_start3A_547 = tpu.memref_slice %arg8[%rem3A_106, %scan3A_532, %dma_start3A_545, %dma_start3A_546] : memref<2x25x2x128xf32, #tpu.memory_space<vmem>> -> memref<1x1x1x128xf32, #tpu.memory_space<vmem>>
        %dma_start3A_548 = tpu.memref_squeeze %dma_start3A_547 : memref<1x1x1x128xf32, #tpu.memory_space<vmem>> -> memref<128xf32, #tpu.memory_space<vmem>>
        %dma_start3A_549 = arith.constant 128 : i32
        %dma_start3A_550 = tpu.memref_slice %arg7[%add3A_535, %dma_start3A_549] : memref<200x256xi32, #tpu.memory_space<vmem>> -> memref<1x128xi32, #tpu.memory_space<vmem>>
        %dma_start3A_551 = tpu.memref_squeeze %dma_start3A_550 : memref<1x128xi32, #tpu.memory_space<vmem>> -> memref<128xi32, #tpu.memory_space<vmem>>
        %dma_start3A_552 = arith.constant 0 : i32
        %dma_start3A_553 = tpu.memref_slice %arg5[%dma_start3A_552] : memref<1000000xf32, #tpu.memory_space<vmem_shared>> -> memref<1000000xf32, #tpu.memory_space<vmem_shared>>
        tpu.enqueue_indirect_dma source(%dma_start3A_553 : memref<1000000xf32, #tpu.memory_space<vmem_shared>>) target(%dma_start3A_548 : memref<128xf32, #tpu.memory_space<vmem>>) offsets(%dma_start3A_551 : memref<128xi32, #tpu.memory_space<vmem>>) semaphore(%arg10 : memref<!tpu.dma_semaphore, #tpu.memory_space<semaphore_mem>>)
        %scan3A_554 = arith.constant 20 : i32
        %mul3A_555 = arith.constant 25 : i32
        %mul3A_556 = arith.muli %scan3A_70, %mul3A_555 : i32
        %add3A_557 = arith.addi %mul3A_556, %scan3A_554 : i32
        %dma_start3A_558 = arith.constant 0 : i32
        %dma_start3A_559 = arith.constant 0 : i32
        %dma_start3A_560 = tpu.memref_slice %arg8[%rem3A_106, %scan3A_554, %dma_start3A_558, %dma_start3A_559] : memref<2x25x2x128xf32, #tpu.memory_space<vmem>> -> memref<1x1x1x128xf32, #tpu.memory_space<vmem>>
        %dma_start3A_561 = tpu.memref_squeeze %dma_start3A_560 : memref<1x1x1x128xf32, #tpu.memory_space<vmem>> -> memref<128xf32, #tpu.memory_space<vmem>>
        %dma_start3A_562 = arith.constant 0 : i32
        %dma_start3A_563 = tpu.memref_slice %arg7[%add3A_557, %dma_start3A_562] : memref<200x256xi32, #tpu.memory_space<vmem>> -> memref<1x128xi32, #tpu.memory_space<vmem>>
        %dma_start3A_564 = tpu.memref_squeeze %dma_start3A_563 : memref<1x128xi32, #tpu.memory_space<vmem>> -> memref<128xi32, #tpu.memory_space<vmem>>
        %dma_start3A_565 = arith.constant 0 : i32
        %dma_start3A_566 = tpu.memref_slice %arg5[%dma_start3A_565] : memref<1000000xf32, #tpu.memory_space<vmem_shared>> -> memref<1000000xf32, #tpu.memory_space<vmem_shared>>
        tpu.enqueue_indirect_dma source(%dma_start3A_566 : memref<1000000xf32, #tpu.memory_space<vmem_shared>>) target(%dma_start3A_561 : memref<128xf32, #tpu.memory_space<vmem>>) offsets(%dma_start3A_564 : memref<128xi32, #tpu.memory_space<vmem>>) semaphore(%arg10 : memref<!tpu.dma_semaphore, #tpu.memory_space<semaphore_mem>>)
        %dma_start3A_567 = arith.constant 1 : i32
        %dma_start3A_568 = arith.constant 0 : i32
        %dma_start3A_569 = tpu.memref_slice %arg8[%rem3A_106, %scan3A_554, %dma_start3A_567, %dma_start3A_568] : memref<2x25x2x128xf32, #tpu.memory_space<vmem>> -> memref<1x1x1x128xf32, #tpu.memory_space<vmem>>
        %dma_start3A_570 = tpu.memref_squeeze %dma_start3A_569 : memref<1x1x1x128xf32, #tpu.memory_space<vmem>> -> memref<128xf32, #tpu.memory_space<vmem>>
        %dma_start3A_571 = arith.constant 128 : i32
        %dma_start3A_572 = tpu.memref_slice %arg7[%add3A_557, %dma_start3A_571] : memref<200x256xi32, #tpu.memory_space<vmem>> -> memref<1x128xi32, #tpu.memory_space<vmem>>
        %dma_start3A_573 = tpu.memref_squeeze %dma_start3A_572 : memref<1x128xi32, #tpu.memory_space<vmem>> -> memref<128xi32, #tpu.memory_space<vmem>>
        %dma_start3A_574 = arith.constant 0 : i32
        %dma_start3A_575 = tpu.memref_slice %arg5[%dma_start3A_574] : memref<1000000xf32, #tpu.memory_space<vmem_shared>> -> memref<1000000xf32, #tpu.memory_space<vmem_shared>>
        tpu.enqueue_indirect_dma source(%dma_start3A_575 : memref<1000000xf32, #tpu.memory_space<vmem_shared>>) target(%dma_start3A_570 : memref<128xf32, #tpu.memory_space<vmem>>) offsets(%dma_start3A_573 : memref<128xi32, #tpu.memory_space<vmem>>) semaphore(%arg10 : memref<!tpu.dma_semaphore, #tpu.memory_space<semaphore_mem>>)
        %scan3A_576 = arith.constant 21 : i32
        %mul3A_577 = arith.constant 25 : i32
        %mul3A_578 = arith.muli %scan3A_70, %mul3A_577 : i32
        %add3A_579 = arith.addi %mul3A_578, %scan3A_576 : i32
        %dma_start3A_580 = arith.constant 0 : i32
        %dma_start3A_581 = arith.constant 0 : i32
        %dma_start3A_582 = tpu.memref_slice %arg8[%rem3A_106, %scan3A_576, %dma_start3A_580, %dma_start3A_581] : memref<2x25x2x128xf32, #tpu.memory_space<vmem>> -> memref<1x1x1x128xf32, #tpu.memory_space<vmem>>
        %dma_start3A_583 = tpu.memref_squeeze %dma_start3A_582 : memref<1x1x1x128xf32, #tpu.memory_space<vmem>> -> memref<128xf32, #tpu.memory_space<vmem>>
        %dma_start3A_584 = arith.constant 0 : i32
        %dma_start3A_585 = tpu.memref_slice %arg7[%add3A_579, %dma_start3A_584] : memref<200x256xi32, #tpu.memory_space<vmem>> -> memref<1x128xi32, #tpu.memory_space<vmem>>
        %dma_start3A_586 = tpu.memref_squeeze %dma_start3A_585 : memref<1x128xi32, #tpu.memory_space<vmem>> -> memref<128xi32, #tpu.memory_space<vmem>>
        %dma_start3A_587 = arith.constant 0 : i32
        %dma_start3A_588 = tpu.memref_slice %arg5[%dma_start3A_587] : memref<1000000xf32, #tpu.memory_space<vmem_shared>> -> memref<1000000xf32, #tpu.memory_space<vmem_shared>>
        tpu.enqueue_indirect_dma source(%dma_start3A_588 : memref<1000000xf32, #tpu.memory_space<vmem_shared>>) target(%dma_start3A_583 : memref<128xf32, #tpu.memory_space<vmem>>) offsets(%dma_start3A_586 : memref<128xi32, #tpu.memory_space<vmem>>) semaphore(%arg10 : memref<!tpu.dma_semaphore, #tpu.memory_space<semaphore_mem>>)
        %dma_start3A_589 = arith.constant 1 : i32
        %dma_start3A_590 = arith.constant 0 : i32
        %dma_start3A_591 = tpu.memref_slice %arg8[%rem3A_106, %scan3A_576, %dma_start3A_589, %dma_start3A_590] : memref<2x25x2x128xf32, #tpu.memory_space<vmem>> -> memref<1x1x1x128xf32, #tpu.memory_space<vmem>>
        %dma_start3A_592 = tpu.memref_squeeze %dma_start3A_591 : memref<1x1x1x128xf32, #tpu.memory_space<vmem>> -> memref<128xf32, #tpu.memory_space<vmem>>
        %dma_start3A_593 = arith.constant 128 : i32
        %dma_start3A_594 = tpu.memref_slice %arg7[%add3A_579, %dma_start3A_593] : memref<200x256xi32, #tpu.memory_space<vmem>> -> memref<1x128xi32, #tpu.memory_space<vmem>>
        %dma_start3A_595 = tpu.memref_squeeze %dma_start3A_594 : memref<1x128xi32, #tpu.memory_space<vmem>> -> memref<128xi32, #tpu.memory_space<vmem>>
        %dma_start3A_596 = arith.constant 0 : i32
        %dma_start3A_597 = tpu.memref_slice %arg5[%dma_start3A_596] : memref<1000000xf32, #tpu.memory_space<vmem_shared>> -> memref<1000000xf32, #tpu.memory_space<vmem_shared>>
        tpu.enqueue_indirect_dma source(%dma_start3A_597 : memref<1000000xf32, #tpu.memory_space<vmem_shared>>) target(%dma_start3A_592 : memref<128xf32, #tpu.memory_space<vmem>>) offsets(%dma_start3A_595 : memref<128xi32, #tpu.memory_space<vmem>>) semaphore(%arg10 : memref<!tpu.dma_semaphore, #tpu.memory_space<semaphore_mem>>)
        %scan3A_598 = arith.constant 22 : i32
        %mul3A_599 = arith.constant 25 : i32
        %mul3A_600 = arith.muli %scan3A_70, %mul3A_599 : i32
        %add3A_601 = arith.addi %mul3A_600, %scan3A_598 : i32
        %dma_start3A_602 = arith.constant 0 : i32
        %dma_start3A_603 = arith.constant 0 : i32
        %dma_start3A_604 = tpu.memref_slice %arg8[%rem3A_106, %scan3A_598, %dma_start3A_602, %dma_start3A_603] : memref<2x25x2x128xf32, #tpu.memory_space<vmem>> -> memref<1x1x1x128xf32, #tpu.memory_space<vmem>>
        %dma_start3A_605 = tpu.memref_squeeze %dma_start3A_604 : memref<1x1x1x128xf32, #tpu.memory_space<vmem>> -> memref<128xf32, #tpu.memory_space<vmem>>
        %dma_start3A_606 = arith.constant 0 : i32
        %dma_start3A_607 = tpu.memref_slice %arg7[%add3A_601, %dma_start3A_606] : memref<200x256xi32, #tpu.memory_space<vmem>> -> memref<1x128xi32, #tpu.memory_space<vmem>>
        %dma_start3A_608 = tpu.memref_squeeze %dma_start3A_607 : memref<1x128xi32, #tpu.memory_space<vmem>> -> memref<128xi32, #tpu.memory_space<vmem>>
        %dma_start3A_609 = arith.constant 0 : i32
        %dma_start3A_610 = tpu.memref_slice %arg5[%dma_start3A_609] : memref<1000000xf32, #tpu.memory_space<vmem_shared>> -> memref<1000000xf32, #tpu.memory_space<vmem_shared>>
        tpu.enqueue_indirect_dma source(%dma_start3A_610 : memref<1000000xf32, #tpu.memory_space<vmem_shared>>) target(%dma_start3A_605 : memref<128xf32, #tpu.memory_space<vmem>>) offsets(%dma_start3A_608 : memref<128xi32, #tpu.memory_space<vmem>>) semaphore(%arg10 : memref<!tpu.dma_semaphore, #tpu.memory_space<semaphore_mem>>)
        %dma_start3A_611 = arith.constant 1 : i32
        %dma_start3A_612 = arith.constant 0 : i32
        %dma_start3A_613 = tpu.memref_slice %arg8[%rem3A_106, %scan3A_598, %dma_start3A_611, %dma_start3A_612] : memref<2x25x2x128xf32, #tpu.memory_space<vmem>> -> memref<1x1x1x128xf32, #tpu.memory_space<vmem>>
        %dma_start3A_614 = tpu.memref_squeeze %dma_start3A_613 : memref<1x1x1x128xf32, #tpu.memory_space<vmem>> -> memref<128xf32, #tpu.memory_space<vmem>>
        %dma_start3A_615 = arith.constant 128 : i32
        %dma_start3A_616 = tpu.memref_slice %arg7[%add3A_601, %dma_start3A_615] : memref<200x256xi32, #tpu.memory_space<vmem>> -> memref<1x128xi32, #tpu.memory_space<vmem>>
        %dma_start3A_617 = tpu.memref_squeeze %dma_start3A_616 : memref<1x128xi32, #tpu.memory_space<vmem>> -> memref<128xi32, #tpu.memory_space<vmem>>
        %dma_start3A_618 = arith.constant 0 : i32
        %dma_start3A_619 = tpu.memref_slice %arg5[%dma_start3A_618] : memref<1000000xf32, #tpu.memory_space<vmem_shared>> -> memref<1000000xf32, #tpu.memory_space<vmem_shared>>
        tpu.enqueue_indirect_dma source(%dma_start3A_619 : memref<1000000xf32, #tpu.memory_space<vmem_shared>>) target(%dma_start3A_614 : memref<128xf32, #tpu.memory_space<vmem>>) offsets(%dma_start3A_617 : memref<128xi32, #tpu.memory_space<vmem>>) semaphore(%arg10 : memref<!tpu.dma_semaphore, #tpu.memory_space<semaphore_mem>>)
        %scan3A_620 = arith.constant 23 : i32
        %mul3A_621 = arith.constant 25 : i32
        %mul3A_622 = arith.muli %scan3A_70, %mul3A_621 : i32
        %add3A_623 = arith.addi %mul3A_622, %scan3A_620 : i32
        %dma_start3A_624 = arith.constant 0 : i32
        %dma_start3A_625 = arith.constant 0 : i32
        %dma_start3A_626 = tpu.memref_slice %arg8[%rem3A_106, %scan3A_620, %dma_start3A_624, %dma_start3A_625] : memref<2x25x2x128xf32, #tpu.memory_space<vmem>> -> memref<1x1x1x128xf32, #tpu.memory_space<vmem>>
        %dma_start3A_627 = tpu.memref_squeeze %dma_start3A_626 : memref<1x1x1x128xf32, #tpu.memory_space<vmem>> -> memref<128xf32, #tpu.memory_space<vmem>>
        %dma_start3A_628 = arith.constant 0 : i32
        %dma_start3A_629 = tpu.memref_slice %arg7[%add3A_623, %dma_start3A_628] : memref<200x256xi32, #tpu.memory_space<vmem>> -> memref<1x128xi32, #tpu.memory_space<vmem>>
        %dma_start3A_630 = tpu.memref_squeeze %dma_start3A_629 : memref<1x128xi32, #tpu.memory_space<vmem>> -> memref<128xi32, #tpu.memory_space<vmem>>
        %dma_start3A_631 = arith.constant 0 : i32
        %dma_start3A_632 = tpu.memref_slice %arg5[%dma_start3A_631] : memref<1000000xf32, #tpu.memory_space<vmem_shared>> -> memref<1000000xf32, #tpu.memory_space<vmem_shared>>
        tpu.enqueue_indirect_dma source(%dma_start3A_632 : memref<1000000xf32, #tpu.memory_space<vmem_shared>>) target(%dma_start3A_627 : memref<128xf32, #tpu.memory_space<vmem>>) offsets(%dma_start3A_630 : memref<128xi32, #tpu.memory_space<vmem>>) semaphore(%arg10 : memref<!tpu.dma_semaphore, #tpu.memory_space<semaphore_mem>>)
        %dma_start3A_633 = arith.constant 1 : i32
        %dma_start3A_634 = arith.constant 0 : i32
        %dma_start3A_635 = tpu.memref_slice %arg8[%rem3A_106, %scan3A_620, %dma_start3A_633, %dma_start3A_634] : memref<2x25x2x128xf32, #tpu.memory_space<vmem>> -> memref<1x1x1x128xf32, #tpu.memory_space<vmem>>
        %dma_start3A_636 = tpu.memref_squeeze %dma_start3A_635 : memref<1x1x1x128xf32, #tpu.memory_space<vmem>> -> memref<128xf32, #tpu.memory_space<vmem>>
        %dma_start3A_637 = arith.constant 128 : i32
        %dma_start3A_638 = tpu.memref_slice %arg7[%add3A_623, %dma_start3A_637] : memref<200x256xi32, #tpu.memory_space<vmem>> -> memref<1x128xi32, #tpu.memory_space<vmem>>
        %dma_start3A_639 = tpu.memref_squeeze %dma_start3A_638 : memref<1x128xi32, #tpu.memory_space<vmem>> -> memref<128xi32, #tpu.memory_space<vmem>>
        %dma_start3A_640 = arith.constant 0 : i32
        %dma_start3A_641 = tpu.memref_slice %arg5[%dma_start3A_640] : memref<1000000xf32, #tpu.memory_space<vmem_shared>> -> memref<1000000xf32, #tpu.memory_space<vmem_shared>>
        tpu.enqueue_indirect_dma source(%dma_start3A_641 : memref<1000000xf32, #tpu.memory_space<vmem_shared>>) target(%dma_start3A_636 : memref<128xf32, #tpu.memory_space<vmem>>) offsets(%dma_start3A_639 : memref<128xi32, #tpu.memory_space<vmem>>) semaphore(%arg10 : memref<!tpu.dma_semaphore, #tpu.memory_space<semaphore_mem>>)
        %scan3A_642 = arith.constant 24 : i32
        %mul3A_643 = arith.constant 25 : i32
        %mul3A_644 = arith.muli %scan3A_70, %mul3A_643 : i32
        %add3A_645 = arith.addi %mul3A_644, %scan3A_642 : i32
        %dma_start3A_646 = arith.constant 0 : i32
        %dma_start3A_647 = arith.constant 0 : i32
        %dma_start3A_648 = tpu.memref_slice %arg8[%rem3A_106, %scan3A_642, %dma_start3A_646, %dma_start3A_647] : memref<2x25x2x128xf32, #tpu.memory_space<vmem>> -> memref<1x1x1x128xf32, #tpu.memory_space<vmem>>
        %dma_start3A_649 = tpu.memref_squeeze %dma_start3A_648 : memref<1x1x1x128xf32, #tpu.memory_space<vmem>> -> memref<128xf32, #tpu.memory_space<vmem>>
        %dma_start3A_650 = arith.constant 0 : i32
        %dma_start3A_651 = tpu.memref_slice %arg7[%add3A_645, %dma_start3A_650] : memref<200x256xi32, #tpu.memory_space<vmem>> -> memref<1x128xi32, #tpu.memory_space<vmem>>
        %dma_start3A_652 = tpu.memref_squeeze %dma_start3A_651 : memref<1x128xi32, #tpu.memory_space<vmem>> -> memref<128xi32, #tpu.memory_space<vmem>>
        %dma_start3A_653 = arith.constant 0 : i32
        %dma_start3A_654 = tpu.memref_slice %arg5[%dma_start3A_653] : memref<1000000xf32, #tpu.memory_space<vmem_shared>> -> memref<1000000xf32, #tpu.memory_space<vmem_shared>>
        tpu.enqueue_indirect_dma source(%dma_start3A_654 : memref<1000000xf32, #tpu.memory_space<vmem_shared>>) target(%dma_start3A_649 : memref<128xf32, #tpu.memory_space<vmem>>) offsets(%dma_start3A_652 : memref<128xi32, #tpu.memory_space<vmem>>) semaphore(%arg10 : memref<!tpu.dma_semaphore, #tpu.memory_space<semaphore_mem>>)
        %dma_start3A_655 = arith.constant 1 : i32
        %dma_start3A_656 = arith.constant 0 : i32
        %dma_start3A_657 = tpu.memref_slice %arg8[%rem3A_106, %scan3A_642, %dma_start3A_655, %dma_start3A_656] : memref<2x25x2x128xf32, #tpu.memory_space<vmem>> -> memref<1x1x1x128xf32, #tpu.memory_space<vmem>>
        %dma_start3A_658 = tpu.memref_squeeze %dma_start3A_657 : memref<1x1x1x128xf32, #tpu.memory_space<vmem>> -> memref<128xf32, #tpu.memory_space<vmem>>
        %dma_start3A_659 = arith.constant 128 : i32
        %dma_start3A_660 = tpu.memref_slice %arg7[%add3A_645, %dma_start3A_659] : memref<200x256xi32, #tpu.memory_space<vmem>> -> memref<1x128xi32, #tpu.memory_space<vmem>>
        %dma_start3A_661 = tpu.memref_squeeze %dma_start3A_660 : memref<1x128xi32, #tpu.memory_space<vmem>> -> memref<128xi32, #tpu.memory_space<vmem>>
        %dma_start3A_662 = arith.constant 0 : i32
        %dma_start3A_663 = tpu.memref_slice %arg5[%dma_start3A_662] : memref<1000000xf32, #tpu.memory_space<vmem_shared>> -> memref<1000000xf32, #tpu.memory_space<vmem_shared>>
        tpu.enqueue_indirect_dma source(%dma_start3A_663 : memref<1000000xf32, #tpu.memory_space<vmem_shared>>) target(%dma_start3A_658 : memref<128xf32, #tpu.memory_space<vmem>>) offsets(%dma_start3A_661 : memref<128xi32, #tpu.memory_space<vmem>>) semaphore(%arg10 : memref<!tpu.dma_semaphore, #tpu.memory_space<semaphore_mem>>)
        %scan3A_664 = arith.constant 25 : i32
        %dma_wait3A_665 = arith.constant 0 : i32
        %dma_wait3A_666 = arith.constant 0 : i32
        %dma_wait3A_667 = arith.constant 0 : i32
        %dma_wait3A_668 = arith.constant 0 : i32
        %dma_wait3A_669 = tpu.memref_slice %arg8[%dma_wait3A_665, %dma_wait3A_666, %dma_wait3A_667, %dma_wait3A_668] : memref<2x25x2x128xf32, #tpu.memory_space<vmem>> -> memref<1x25x2x128xf32, #tpu.memory_space<vmem>>
        %dma_wait3A_670 = tpu.memref_squeeze %dma_wait3A_669 : memref<1x25x2x128xf32, #tpu.memory_space<vmem>> -> memref<25x2x128xf32, #tpu.memory_space<vmem>>
        %dma_wait3A_671 = arith.constant 0 : i32
        %dma_wait3A_672 = arith.constant 0 : i32
        %dma_wait3A_673 = arith.constant 0 : i32
        %dma_wait3A_674 = tpu.memref_slice %arg8[%dma_wait3A_665, %dma_wait3A_671, %dma_wait3A_672, %dma_wait3A_673] : memref<2x25x2x128xf32, #tpu.memory_space<vmem>> -> memref<1x25x2x128xf32, #tpu.memory_space<vmem>>
        %dma_wait3A_675 = tpu.memref_squeeze %dma_wait3A_674 : memref<1x25x2x128xf32, #tpu.memory_space<vmem>> -> memref<25x2x128xf32, #tpu.memory_space<vmem>>
        tpu.wait_dma2 semaphore(%arg10 : memref<!tpu.dma_semaphore, #tpu.memory_space<semaphore_mem>>) src(%dma_wait3A_675 : memref<25x2x128xf32, #tpu.memory_space<vmem>>) dst(%arg6 : memref<25x2x128xf32, #tpu.memory_space<vmem_shared>>)
        %mul3A_676 = arith.constant 25 : i32
        %mul3A_677 = arith.muli %scan3A_70, %mul3A_676 : i32
        %mul3A_678 = arith.constant 2 : i32
        %mul3A_679 = arith.muli %mul3A_678, %arg1 : i32
        %dma_start3A_680 = arith.constant 0 : i32
        %dma_start3A_681 = arith.constant 0 : i32
        %dma_start3A_682 = arith.constant 0 : i32
        %dma_start3A_683 = tpu.memref_slice %arg8[%rem3A_106, %dma_start3A_680, %dma_start3A_681, %dma_start3A_682] : memref<2x25x2x128xf32, #tpu.memory_space<vmem>> -> memref<1x25x2x128xf32, #tpu.memory_space<vmem>>
        %dma_start3A_684 = tpu.memref_squeeze %dma_start3A_683 : memref<1x25x2x128xf32, #tpu.memory_space<vmem>> -> memref<25x2x128xf32, #tpu.memory_space<vmem>>
        %dma_start3A_685 = arith.constant 0 : i32
        %dma_start3A_686 = tpu.memref_slice %arg4[%mul3A_677, %select_n3A, %mul3A_679, %select_n3A_104, %dma_start3A_685] : memref<200x8x32x8x128xf32, #tpu.memory_space<hbm>> -> memref<25x1x2x1x128xf32, #tpu.memory_space<hbm>>
        %dma_start3A_687 = tpu.memref_squeeze %dma_start3A_686 : memref<25x1x2x1x128xf32, #tpu.memory_space<hbm>> -> memref<25x2x128xf32, #tpu.memory_space<hbm>>
        %dma_start3A_688 = arith.constant 0 : i32
        %dma_start3A_689 = tpu.memref_slice %arg4[%mul3A_677, %select_n3A, %mul3A_679, %select_n3A_104, %dma_start3A_688] : memref<200x8x32x8x128xf32, #tpu.memory_space<hbm>> -> memref<25x1x2x1x128xf32, #tpu.memory_space<hbm>>
        %dma_start3A_690 = tpu.memref_squeeze %dma_start3A_689 : memref<25x1x2x1x128xf32, #tpu.memory_space<hbm>> -> memref<25x2x128xf32, #tpu.memory_space<hbm>>
        %dma_start3A_691 = arith.constant 0 : i32
        %dma_start3A_692 = arith.constant 0 : i32
        %dma_start3A_693 = arith.constant 0 : i32
        %dma_start3A_694 = tpu.memref_slice %arg8[%rem3A_106, %dma_start3A_691, %dma_start3A_692, %dma_start3A_693] : memref<2x25x2x128xf32, #tpu.memory_space<vmem>> -> memref<1x25x2x128xf32, #tpu.memory_space<vmem>>
        %dma_start3A_695 = tpu.memref_squeeze %dma_start3A_694 : memref<1x25x2x128xf32, #tpu.memory_space<vmem>> -> memref<25x2x128xf32, #tpu.memory_space<vmem>>
        tpu.enqueue_dma source(%dma_start3A_695 : memref<25x2x128xf32, #tpu.memory_space<vmem>>) target(%dma_start3A_690 : memref<25x2x128xf32, #tpu.memory_space<hbm>>) target_semaphore(%arg11 : memref<!tpu.dma_semaphore, #tpu.memory_space<semaphore_mem>>)
      }
      %scan3A_68 = arith.constant 8 : i32
      %barrier3A_69 = arith.constant 0 : index
      tpu.barrier barrier_id(%barrier3A_69)
    }
    %scan3A_19 = arith.constant 32 : i32
    %dma_wait3A = arith.constant 0 : i32
    %dma_wait3A_20 = arith.constant 0 : i32
    %dma_wait3A_21 = arith.constant 0 : i32
    %dma_wait3A_22 = arith.constant 0 : i32
    %dma_wait3A_23 = tpu.memref_slice %arg8[%dma_wait3A, %dma_wait3A_20, %dma_wait3A_21, %dma_wait3A_22] : memref<2x25x2x128xf32, #tpu.memory_space<vmem>> -> memref<1x25x2x128xf32, #tpu.memory_space<vmem>>
    %dma_wait3A_24 = tpu.memref_squeeze %dma_wait3A_23 : memref<1x25x2x128xf32, #tpu.memory_space<vmem>> -> memref<25x2x128xf32, #tpu.memory_space<vmem>>
    %dma_wait3A_25 = arith.constant 0 : i32
    %dma_wait3A_26 = arith.constant 0 : i32
    %dma_wait3A_27 = arith.constant 0 : i32
    %dma_wait3A_28 = tpu.memref_slice %arg8[%dma_wait3A, %dma_wait3A_25, %dma_wait3A_26, %dma_wait3A_27] : memref<2x25x2x128xf32, #tpu.memory_space<vmem>> -> memref<1x25x2x128xf32, #tpu.memory_space<vmem>>
    %dma_wait3A_29 = tpu.memref_squeeze %dma_wait3A_28 : memref<1x25x2x128xf32, #tpu.memory_space<vmem>> -> memref<25x2x128xf32, #tpu.memory_space<vmem>>
    tpu.wait_dma2 semaphore(%arg11 : memref<!tpu.dma_semaphore, #tpu.memory_space<semaphore_mem>>) src(%dma_wait3A_29 : memref<25x2x128xf32, #tpu.memory_space<vmem>>) dst(%arg6 : memref<25x2x128xf32, #tpu.memory_space<vmem_shared>>)
    %dma_wait3A_30 = arith.constant 0 : i32
    %dma_wait3A_31 = arith.constant 0 : i32
    %dma_wait3A_32 = arith.constant 0 : i32
    %dma_wait3A_33 = arith.constant 0 : i32
    %dma_wait3A_34 = tpu.memref_slice %arg8[%dma_wait3A_30, %dma_wait3A_31, %dma_wait3A_32, %dma_wait3A_33] : memref<2x25x2x128xf32, #tpu.memory_space<vmem>> -> memref<1x25x2x128xf32, #tpu.memory_space<vmem>>
    %dma_wait3A_35 = tpu.memref_squeeze %dma_wait3A_34 : memref<1x25x2x128xf32, #tpu.memory_space<vmem>> -> memref<25x2x128xf32, #tpu.memory_space<vmem>>
    %dma_wait3A_36 = arith.constant 0 : i32
    %dma_wait3A_37 = arith.constant 0 : i32
    %dma_wait3A_38 = arith.constant 0 : i32
    %dma_wait3A_39 = tpu.memref_slice %arg8[%dma_wait3A_30, %dma_wait3A_36, %dma_wait3A_37, %dma_wait3A_38] : memref<2x25x2x128xf32, #tpu.memory_space<vmem>> -> memref<1x25x2x128xf32, #tpu.memory_space<vmem>>
    %dma_wait3A_40 = tpu.memref_squeeze %dma_wait3A_39 : memref<1x25x2x128xf32, #tpu.memory_space<vmem>> -> memref<25x2x128xf32, #tpu.memory_space<vmem>>
    tpu.wait_dma2 semaphore(%arg11 : memref<!tpu.dma_semaphore, #tpu.memory_space<semaphore_mem>>) src(%dma_wait3A_40 : memref<25x2x128xf32, #tpu.memory_space<vmem>>) dst(%arg6 : memref<25x2x128xf32, #tpu.memory_space<vmem_shared>>)
    return
  }
}

module attributes {stable_mosaic.version = 14 : i64} {
  func.func @_detile_body(%arg0: i32, %arg1: i32, %arg2: memref<8x124928xf32, #tpu.memory_space<vmem>>, %arg3: memref<999424xf32, #tpu.memory_space<vmem>>) attributes {dimension_semantics = [#tpu.dimension_semantics<arbitrary>, #tpu.dimension_semantics<arbitrary>], iteration_bounds = array<i64: 8, 9>, scalar_prefetch = 0 : i64, scratch_operands = 0 : i64, tpu.core_type = #tpu.core_type<tc>, window_params = [{transform_indices = @transform_0, window_bounds = array<i64: 8, 124928>}, {transform_indices = @transform_1, window_bounds = array<i64: 999424>}]} {
    %get3A = arith.constant 0 : index
    %get3A_0 = arith.constant 0 : index
    %get3A_1 = vector.load %arg2[%get3A, %get3A_0] : memref<8x124928xf32, #tpu.memory_space<vmem>>, vector<1x124928xf32>
    %get3A_2 = vector.shape_cast %get3A_1 : vector<1x124928xf32> to vector<124928xf32>
    %swap3A = arith.constant 0 : index
    %swap3A_3 = vector.load %arg3[%swap3A] : memref<999424xf32, #tpu.memory_space<vmem>>, vector<124928xf32>
    tpu.vector_store %arg3[%swap3A], %get3A_2 {strides = array<i32>} : memref<999424xf32, #tpu.memory_space<vmem>>, vector<124928xf32>,
    %get3A_4 = arith.constant 1 : index
    %get3A_5 = arith.constant 0 : index
    %get3A_6 = vector.load %arg2[%get3A_4, %get3A_5] : memref<8x124928xf32, #tpu.memory_space<vmem>>, vector<1x124928xf32>
    %get3A_7 = vector.shape_cast %get3A_6 : vector<1x124928xf32> to vector<124928xf32>
    %swap3A_8 = arith.constant 124928 : index
    %swap3A_9 = vector.load %arg3[%swap3A_8] : memref<999424xf32, #tpu.memory_space<vmem>>, vector<124928xf32>
    tpu.vector_store %arg3[%swap3A_8], %get3A_7 {strides = array<i32>} : memref<999424xf32, #tpu.memory_space<vmem>>, vector<124928xf32>,
    %get3A_10 = arith.constant 2 : index
    %get3A_11 = arith.constant 0 : index
    %get3A_12 = vector.load %arg2[%get3A_10, %get3A_11] : memref<8x124928xf32, #tpu.memory_space<vmem>>, vector<1x124928xf32>
    %get3A_13 = vector.shape_cast %get3A_12 : vector<1x124928xf32> to vector<124928xf32>
    %swap3A_14 = arith.constant 249856 : index
    %swap3A_15 = vector.load %arg3[%swap3A_14] : memref<999424xf32, #tpu.memory_space<vmem>>, vector<124928xf32>
    tpu.vector_store %arg3[%swap3A_14], %get3A_13 {strides = array<i32>} : memref<999424xf32, #tpu.memory_space<vmem>>, vector<124928xf32>,
    %get3A_16 = arith.constant 3 : index
    %get3A_17 = arith.constant 0 : index
    %get3A_18 = vector.load %arg2[%get3A_16, %get3A_17] : memref<8x124928xf32, #tpu.memory_space<vmem>>, vector<1x124928xf32>
    %get3A_19 = vector.shape_cast %get3A_18 : vector<1x124928xf32> to vector<124928xf32>
    %swap3A_20 = arith.constant 374784 : index
    %swap3A_21 = vector.load %arg3[%swap3A_20] : memref<999424xf32, #tpu.memory_space<vmem>>, vector<124928xf32>
    tpu.vector_store %arg3[%swap3A_20], %get3A_19 {strides = array<i32>} : memref<999424xf32, #tpu.memory_space<vmem>>, vector<124928xf32>,
    %get3A_22 = arith.constant 4 : index
    %get3A_23 = arith.constant 0 : index
    %get3A_24 = vector.load %arg2[%get3A_22, %get3A_23] : memref<8x124928xf32, #tpu.memory_space<vmem>>, vector<1x124928xf32>
    %get3A_25 = vector.shape_cast %get3A_24 : vector<1x124928xf32> to vector<124928xf32>
    %swap3A_26 = arith.constant 499712 : index
    %swap3A_27 = vector.load %arg3[%swap3A_26] : memref<999424xf32, #tpu.memory_space<vmem>>, vector<124928xf32>
    tpu.vector_store %arg3[%swap3A_26], %get3A_25 {strides = array<i32>} : memref<999424xf32, #tpu.memory_space<vmem>>, vector<124928xf32>,
    %get3A_28 = arith.constant 5 : index
    %get3A_29 = arith.constant 0 : index
    %get3A_30 = vector.load %arg2[%get3A_28, %get3A_29] : memref<8x124928xf32, #tpu.memory_space<vmem>>, vector<1x124928xf32>
    %get3A_31 = vector.shape_cast %get3A_30 : vector<1x124928xf32> to vector<124928xf32>
    %swap3A_32 = arith.constant 624640 : index
    %swap3A_33 = vector.load %arg3[%swap3A_32] : memref<999424xf32, #tpu.memory_space<vmem>>, vector<124928xf32>
    tpu.vector_store %arg3[%swap3A_32], %get3A_31 {strides = array<i32>} : memref<999424xf32, #tpu.memory_space<vmem>>, vector<124928xf32>,
    %get3A_34 = arith.constant 6 : index
    %get3A_35 = arith.constant 0 : index
    %get3A_36 = vector.load %arg2[%get3A_34, %get3A_35] : memref<8x124928xf32, #tpu.memory_space<vmem>>, vector<1x124928xf32>
    %get3A_37 = vector.shape_cast %get3A_36 : vector<1x124928xf32> to vector<124928xf32>
    %swap3A_38 = arith.constant 749568 : index
    %swap3A_39 = vector.load %arg3[%swap3A_38] : memref<999424xf32, #tpu.memory_space<vmem>>, vector<124928xf32>
    tpu.vector_store %arg3[%swap3A_38], %get3A_37 {strides = array<i32>} : memref<999424xf32, #tpu.memory_space<vmem>>, vector<124928xf32>,
    %get3A_40 = arith.constant 7 : index
    %get3A_41 = arith.constant 0 : index
    %get3A_42 = vector.load %arg2[%get3A_40, %get3A_41] : memref<8x124928xf32, #tpu.memory_space<vmem>>, vector<1x124928xf32>
    %get3A_43 = vector.shape_cast %get3A_42 : vector<1x124928xf32> to vector<124928xf32>
    %swap3A_44 = arith.constant 874496 : index
    %swap3A_45 = vector.load %arg3[%swap3A_44] : memref<999424xf32, #tpu.memory_space<vmem>>, vector<124928xf32>
    tpu.vector_store %arg3[%swap3A_44], %get3A_43 {strides = array<i32>} : memref<999424xf32, #tpu.memory_space<vmem>>, vector<124928xf32>,
    return
  }
  func.func @transform_0(%arg0: i32, %arg1: i32) -> (i32, i32) {
    %c0_i32 = arith.constant 0 : i32
    return %arg0, %arg1 : i32, i32
  }
  func.func @transform_1(%arg0: i32, %arg1: i32) -> i32 {
    %mul3A = arith.constant 8 : i32
    %mul3A_0 = arith.muli %arg1, %mul3A : i32
    %add3A = arith.addi %mul3A_0, %arg0 : i32
    %c0_i32 = arith.constant 0 : i32
    return %add3A : i32
  }
}

</mosaic_0001>

<sc_bundles>
// kernel: kernel.4.cloned.1.call-start
scs
__scs_entry_jumppad:
0x0: {  	(pc) =	sbr.rel $0x88, $3  }
0x1: {  	(tag) =	ssettag $0x0;
	lr =	simm.s32 $0x1  }
0x2: {  	[smem:$0x3F9F] =	sst lr;
	_ =	strace $0xD0000000  }
0x3: {  	_ = 	snop  }
0x4: {  	_ = 	snop  }
0x5: {  	_ = 	snop  }
0x6: {  	_ = 	snop  }
0x7: {  	_ = 	snop  }
__scs_overlays_trampoline_lowered:
0x8: {  	[smem:$0x3FAE] =	sst s0  }
0x9: {  	[smem:$0x3FAF] =	sst s1  }
0xa: {  	[smem:$0x3FB0] =	sst s2  }
0xb: {  	[smem:$0x3FB1] =	sst s3  }
0xc: {  	[smem:$0x3FB2] =	sst s4  }
0xd: {  	[smem:$0x3FB3] =	sst s5  }
0xe: {  	[smem:$0x3FB4] =	sst s6  }
0xf: {  	[smem:$0x3FB5] =	sst s7  }
0x10: {  	[smem:$0x3FB6] =	sst s8  }
0x11: {  	[smem:$0x3FB7] =	sst s9;
	s0 =	simm.s32 @!p0 $0x0  }
0x12: {  	s1 =	sld [smem:$0x3F9D];
	s0 =	simm.s32 @p0 $0x1  }
0x13: {  	[smem:$0x3FB8] =	sst s0;
	s0 =	simm.s32 @!p1 $0x0  }
0x14: {  	s2 =	sld [smem:$0x3F9C];
	s0 =	simm.s32 @p1 $0x1  }
0x15: {  	[smem:$0x3FB9] =	sst s0;
	s0 =	simm.s32 @!p2 $0x0  }
0x16: {  	s3 =	sld [smem:$0x3FDB];
	s0 =	simm.s32 @p2 $0x1  }
0x17: {  	s4 =	simm.s32 $0x1BF5;
	[smem:$0x3FBB] =	sst s0  }
0x18: {  	s0 =	sld [smem:$0x3F9E];
	_ =	swait.ge [sflag:s4], $0x0  }
0x19: {  	s7 =	sld [smem:$0x3F9F]  }
0x1a: {  	s8 =	sadd.s32 $0xFFFFE003, lr  }
0x1b: {  	s9 =	sadd.s32 $0xFFFFFEF7, lr;
	s5 =	simm.s32 $0xFFFFFFFF;
	p2 =	slt.u32 s8, $0xFFFFF086  }
0x1c: {  	p1 =	slt.u32 s9, $0xF7A;
	s5 =	simm.s32 @!p2 $0x0  }
0x1d: {  	s5 =	simm.s32 @p1 $0x1;
	p0 =	seq.s32 s7, s2  }
0x1e: {  	s7 =	smul.u32 @!p0 $0xF7A, s2;
	p2 =	seq.s32 @!p0 s5, $0x0  }
0x1f: {  	s9 =	smul.u32 $0xF7A, s1;
	s8 =	simm.s32 @!p0 $0x1BF5;
	p2 =	por !p2, p0  }
0x20: {  	[sflag:s8] =	ssyncset.s32 @!p0 $0xFFFFF086;
	s6 =	sadd.s32 @!p0 s3, s7;
	s7 =	simm.s32 @!p0 $0x108  }
0x21: {  	s3 =	sadd.s32 s3, s9;
	s6 =	sadd.s32 @!p0 $0x88, s6;
	s7 =	simm.s32 @p2 $0x1082  }
0x22: {  	[simem:s7], [sflag:s8] =	dma.local @!p0 [hbm:s6], $0xF7A  }
0x23: {  	s9 =	sor.u32 $0xD0000000, s2;
	s6 =	simm.s32 $0x108;
	_ =	swait.ge @!p0 [sflag:s8], $0x0  }
0x24: {  	s3 =	sadd.s32 $0x88, s3;
	s6 =	simm.s32 @!p1 $0x1082;
	[sflag:s4] =	ssyncset.s32 $0xFFFFF086  }
0x25: {  	[simem:s6], [sflag:s4] =	dma.local [hbm:s3], $0xF7A  }
0x26: {  	[smem:$0x3F9F] =	sst s1;
	(tag) =	ssettag s2;
	_ =	strace s9  }
0x27: {  	s1 =	sld [smem:$0x3FAF]  }
0x28: {  	s2 =	sld [smem:$0x3FB0]  }
0x29: {  	s4 =	sld [smem:$0x3FB2]  }
0x2a: {  	p0 =	seq.s32 s5, $0x0;
	s5 =	sld [smem:$0x3FB3]  }
0x2b: {  	s6 =	sld [smem:$0x3FB4]  }
0x2c: {  	s7 =	sld [smem:$0x3FB5]  }
0x2d: {  	s3 =	simm.s32 $0x108;
	s8 =	sld [smem:$0x3FB6]  }
0x2e: {  	s3 =	simm.s32 @!p0 $0x1082;
	s9 =	sld [smem:$0x3FB7]  }
0x2f: {  	lr =	sadd.s32 s0, s3;
	s0 =	sld [smem:$0x3FAE]  }
0x30: {  	s3 =	sld [smem:$0x3FB1]  }
0x31: {  	[smem:$0x3FBA] =	sst s10  }
0x32: {  	s10 =	sld [smem:$0x3FB8];
	_ =	sdelay $0x3  }
0x33: {  	p0 =	seq.s32 s10, $0x1;
	s10 =	sld [smem:$0x3FBA];
	_ =	sdelay $0x3  }
0x34: {  	[smem:$0x3FBA] =	sst s10  }
0x35: {  	s10 =	sld [smem:$0x3FB9];
	_ =	sdelay $0x3  }
0x36: {  	p1 =	seq.s32 s10, $0x1;
	s10 =	sld [smem:$0x3FBA];
	_ =	sdelay $0x3  }
0x37: {  	[smem:$0x3FBA] =	sst s10  }
0x38: {  	s10 =	sld [smem:$0x3FBB]  }
0x39: {  	_ = 	snop;
	(pc) =	sbr.ind lr, $3  }
0x3a: {  	_ = 	snop  }
0x3b: {  	_ = 	snop  }
0x3c: {  	p2 =	seq.s32 s10, $0x1;
	s10 =	sld [smem:$0x3FBA]  }
0x3d: {  	_ =	shalt  }
0x3e: {  	_ =	shalt  }
0x3f: {  	_ =	shalt  }
0x40: {  	_ =	shalt  }
0x41: {  	_ =	shalt  }
0x42: {  	_ =	shalt  }
0x43: {  	_ =	shalt  }
0x44: {  	_ =	shalt  }
0x45: {  	_ =	shalt  }
0x46: {  	_ =	shalt  }
0x47: {  	_ =	shalt  }
0x48: {  	_ =	shalt  }
0x49: {  	_ =	shalt  }
0x4a: {  	_ =	shalt  }
0x4b: {  	_ =	shalt  }
0x4c: {  	_ =	shalt  }
0x4d: {  	_ =	shalt  }
0x4e: {  	_ =	shalt  }
0x4f: {  	_ =	shalt  }
0x50: {  	_ =	shalt  }
0x51: {  	_ =	shalt  }
0x52: {  	_ =	shalt  }
0x53: {  	_ =	shalt  }
0x54: {  	_ =	shalt  }
0x55: {  	_ =	shalt  }
0x56: {  	_ =	shalt  }
0x57: {  	_ =	shalt  }
0x58: {  	_ =	shalt  }
0x59: {  	_ =	shalt  }
0x5a: {  	_ =	shalt  }
0x5b: {  	_ =	shalt  }
0x5c: {  	_ =	shalt  }
0x5d: {  	_ =	shalt  }
0x5e: {  	_ =	shalt  }
0x5f: {  	_ =	shalt  }
0x60: {  	_ =	shalt  }
0x61: {  	_ =	shalt  }
0x62: {  	_ =	shalt  }
0x63: {  	_ =	shalt  }
0x64: {  	_ =	shalt  }
0x65: {  	_ =	shalt  }
0x66: {  	_ =	shalt  }
0x67: {  	_ =	shalt  }
0x68: {  	_ =	shalt  }
0x69: {  	_ =	shalt  }
0x6a: {  	_ =	shalt  }
0x6b: {  	_ =	shalt  }
0x6c: {  	_ =	shalt  }
0x6d: {  	_ =	shalt  }
0x6e: {  	_ =	shalt  }
0x6f: {  	_ =	shalt  }
0x70: {  	_ =	shalt  }
0x71: {  	_ =	shalt  }
0x72: {  	_ =	shalt  }
0x73: {  	_ =	shalt  }
0x74: {  	_ =	shalt  }
0x75: {  	_ =	shalt  }
0x76: {  	_ =	shalt  }
0x77: {  	_ =	shalt  }
0x78: {  	_ =	shalt  }
0x79: {  	_ =	shalt  }
0x7a: {  	_ =	shalt  }
0x7b: {  	_ =	shalt  }
0x7c: {  	_ =	shalt  }
0x7d: {  	_ =	shalt  }
0x7e: {  	_ =	shalt  }
0x7f: {  	_ =	shalt  }
0x80: {  	_ =	shalt  }
0x81: {  	_ =	shalt  }
0x82: {  	_ =	shalt  }
0x83: {  	_ =	shalt  }
0x84: {  	_ =	shalt  }
0x85: {  	_ =	shalt  }
0x86: {  	_ =	shalt  }
0x87: {  	_ =	shalt  }
.Lfunc_end0:
.L_simem_size_0:
called_computation_lowered:
.L_overlay_start_0:
0x88: {  	s2 =	sld [smem:$0x3FD9]  }
0x89: {  	s3 =	sld [smem:$0x3FFE];
	_ =	sdelay $0x1  }
0x8a: {  	s1 =	srdreg.scid  }
0x8b: {  	s0 =	sand.u32 $0x1, s1  }
0x8c: {  	s17 =	sshll.u32 s0, $0xA;
	s2 =	sadd.s32 s3, s2  }
0x8d: {  	s2 =	sadd.s32 s2, s17  }
0x8e: {  	[smem:$0x3FC6] =	sst s2  }
0x8f: {  	_ = 	snop  }
0x90: {  	s2 =	sld [smem:$0x3FD0];
	(tm) =	ssettm $0x1  }
0x91: {  	s18 =	sld [smem:$0x3FFB];
	_ =	sdelay $0x3  }
0x92: {  	_ =	strace s18  }
0x93: {  	s3 =	sld [smem:$0x3FFC];
	_ =	sdelay $0x3  }
0x94: {  	_ =	strace s3  }
0x95: {  	s3 =	sld [smem:$0x3FFD];
	_ =	sdelay $0x3  }
0x96: {  	_ =	strace s3  }
0x97: {  	_ =	strace $0x8FFFFFFF  }
0x98: {  	s19 =	sld [smem:$0x3FDB];
	_ =	sdelay $0x1  }
0x99: {  	s4 =	simm.s32 $_scs_section_size  }
0x9a: {  	s5 =	simm.s32 $_size__tile_overlayer_lowered;
	s6 =	simm.s32 $_tile_overlayer_lowered  }
0x9b: {  	s22 =	simm.s32 $0x1BFF;
	s21 =	sshll.u32 s6, $0x1;
	s3 =	sadd.s32 s4, s19  }
0x9c: {  	s7 =	simm.s32 $0x0;
	s20 =	sshll.u32 s5, $0x1;
	s5 =	sadd.s32 s21, s3  }
0x9d: {  	[timem:s7], [sflag:s22] =	dma.local [hbm:s5], s20  }
0x9e: {  	_ =	swait.ge [sflag:s22], s20  }
0x9f: {  	s4 =	ssub.s32 $0x0, s20;
	[sflag:s22] =	ssyncset.done $0x0  }
0xa0: {  	[sflag:s22] =	ssyncadd.s32 s4;
	_ =	sdelay $0x1  }
0xa1: {  	s23 =	simm.s32 $0x1B8B  }
0xa2: {  	_ =	swait.ge [sflag:s23], $0x1  }
0xa3: {  	[sflag:s23] =	ssyncset.done $0x0  }
0xa4: {  	s25 =	simm.s32 $0x1B8E;
	s24 =	sld [smem:$0x3FFE];
	[sflag:s23] =	ssyncadd.s32 $0xFFFFFFFF  }
0xa5: {  	s26 =	simm.s32 $execute0_lowered;
	[smem:$0x3FD2] =	sst s25  }
0xa6: {  	s5 =	sshll.u32 s26, $0x1;
	_ =	strace $0x80000046;
	[dreg:$0x1] =	wrdreg $0xFFFFFFFF  }
0xa7: {  	s28 =	simm.s32 $_size_execute0_lowered;
	s3 =	sadd.s32 s3, s5;
	[dreg:$0x0] =	wrdreg $0x0  }
0xa8: {  	s5 =	sshll.u32 s28, $0x1;
	[dreg:$0x2] =	wrdreg s3  }
0xa9: {  	[dreg:$0x3] =	wrdreg s5  }
0xaa: {  	[dreg:$0x4] =	wrdreg $0xC0  }
0xab: {  	_ =	task [dreg:s7], $0x5FFFF  }
0xac: {  	[dreg:$0x1] =	wrdreg $0xFFFFFFFF  }
0xad: {  	[dreg:$0x0] =	wrdreg $0x60  }
0xae: {  	[dreg:$0x2] =	wrdreg s24  }
0xaf: {  	[dreg:$0x3] =	wrdreg s2  }
0xb0: {  	[dreg:$0x4] =	wrdreg $0x0  }
0xb1: {  	[dreg:$0x5] =	wrdreg $0x9  }
0xb2: {  	_ =	task.clear_ibuf [dreg:s7], $0x6FFFF;
	_ =	strace $0x90000046  }
0xb3: {  	s29 =	simm.s32 $0x9;
	_ =	strace $0x80000048  }
0xb4: {  	_ =	swait.ge [sflag:s29], $0x1  }
0xb5: {  	[sflag:s29] =	ssyncadd.s32 $0xFFFFFFFF  }
0xb6: {  	_ =	strace $0x90000048  }
0xb7: {  	_ =	sfence  }
0xb8: {  	s30 =	sld [smem:$0x0];
	_ =	sdelay $0x2  }
0xb9: {  	s31 =	sshll.u32 s1, $0xD;
	s1 =	sshrl.u32 s1, $0x2  }
0xba: {  	s3 =	sand.u32 $0x4000, s31;
	s1 =	sadd.s32 s1, s30  }
0xbb: {  	s0 =	sor.u32 s3, s0;
	s1 =	sshll.u32 s1, $0x11  }
0xbc: {  	s0 =	sor.u32 s1, s0  }
0xbd: {  	s0 =	sadd.s32 $0x8F2B, s0  }
0xbe: {  	[sflag:s0] =	ssyncadd.remote.s32 $0x1  }
0xbf: {  	_ =	sfence.sel $0xFFFF  }
0xc0: {  	[dreg:$0x0] =	wrdreg $0xFFFFFFFF;
	(pc) =	sbr.abs _section_cstart, $3  }
0xc1: {  	[dreg:$0x1] =	wrdreg $0xFFFFFFFF  }
0xc2: {  	_ =	task.clear_ibuf [dreg:s7], $0x2FFFF;
	_ =	strace $0x9FFFFFFF  }
0xc3: {  	(tm) =	ssettm $0x7FFFFFFF  }
tec
execute0_lowered:
.L_overlay_start_1:
0x0: {  	(tag) =	ssettag $0x1  }
0x1: {  	s0 =	rddreg [dreg:$0x0]  }
0x2: {  	s1 =	rddreg [dreg:$0x1]  }
0x3: {  	s2 =	rddreg [dreg:$0x2];
	s3 =	simm.s32 $0x0;
	s4 =	srdreg.scid  }
0x4: {  	s11 =	stileid.u32;
	s28 =	simm.s32 $0x2;
	s29 =	simm.s32 $0x1  }
0x5: {  	s30 =	simm.s32 $0x80;
	s31 =	simm.s32 $0x400;
	[smem:$0x7FF] =	sst s3  }
0x6: {  	s4 =	sand.u32 $0x1, s4;
	s5 =	sshll.u32 s11, $0x5;
	s12 =	smul.u32 $0x1E80, s11  }
0x7: {  	s6 =	sadd.s32 $0x19400, s0;
	s18 =	sshll.u32 s11, $0xB;
	p0 =	sne.s32 s11, $0x0  }
0x8: {  	_ =	strace $0x80000047;
	s7 =	ssub.s32 $0x2, s4;
	s5 =	sadd.s32 s5, s0  }
0x9: {  	s4 =	sshll.u32 s4, $0x5;
	[dreg:$0x5] =	wrdreg s18;
	s17 =	sshrl.u32 s7, $0x1  }
0xa: {  	[dreg:$0x4] =	wrdreg s4;
	s13 =	sadd.s32 s12, s2;
	s4 =	sadd.s32 $0xF4000, s2  }
0xb: {  	s20 =	sor.u32 $0x7A0000, s12;
	s8 =	sor.u32 $0xF40000, s12;
	s9 =	sor.u32 $0x16E0000, s12  }
0xc: {  	s10 =	sor.u32 $0x1E80000, s12;
	s15 =	sor.u32 $0x2620000, s12;
	[dreg:$0x7] =	wrdreg s20  }
0xd: {  	s16 =	sor.u32 $0x2DC0000, s12;
	s0 =	ssub.s32 s7, s17;
	[dreg:$0x8] =	wrdreg s8  }
0xe: {  	s19 =	sadd.s32 $0x1E800, s13;
	s21 =	sadd.s32 $0x3D000, s13;
	[dreg:$0x9] =	wrdreg s9  }
0xf: {  	s22 =	sadd.s32 $0x5B800, s13;
	s25 =	sadd.s32 $0x7A000, s13;
	[dreg:$0xa] =	wrdreg s10  }
0x10: {  	s26 =	sadd.s32 $0x98800, s13;
	s23 =	sadd.s32 $0xB7000, s13;
	s14 =	smov.u32 s13  }
0x11: {  	s24 =	sadd.s32 $0xD5800, s13;
	s17 =	sadd.s32 $0x400, s5;
	s13 =	smov.u32 s12  }
0x12: {  	s5 =	simm.s32 $0x0;
	s0 =	smax.u32 s0, $0x1;
	s18 =	sshrl.u32 s19, $0x3  }
0x13: {  	s19 =	sshrl.u32 s21, $0x3;
	s20 =	sshrl.u32 s22, $0x3;
	s21 =	sshrl.u32 s25, $0x3  }
0x14: {  	s22 =	sshrl.u32 s26, $0x3;
	s23 =	sshrl.u32 s23, $0x3;
	s24 =	sshrl.u32 s24, $0x3  }
0x15: {  	s25 =	sshrl.u32 @!p0 s4, $0x3;
	s26 =	sor.u32 $0x3560000, s12;
	[dreg:$0x6] =	wrdreg s0  }
.LBB2_1:
0x16: {  	[dreg:$0xb] =	wrdreg s5;
	s0 =	simm.s32 $0xF428  }
0x17: {  	s4 =	simm.s32 $0x200;
	s7 =	sadd.s32 $0x0, s17;
	s5 =	simm.s32 $0xF528  }
.LBB2_2:
0x18: {  	[tilespmem:s0], [sflag:$0x2] =	stream.linear.gather [hbm4b:s7+s3], $0x100, $0x38;
	[tilespmem:$0x1EE28] =	vst v63  }
0x19: {  	s7 =	smov.u32 s4;
	s0 =	smov.u32 s5;
	p1 =	sne.s32 s4, $0x18E00  }
.Ltmp0:
0x1a: {  	s4 =	sadd.s32 $0x200, s4;
	(pc) =	sbr.rel @p1 .LBB2_2-.Ltmp0, $2  }
0x1b: {  	_ =	sdelay $0x2  }
0x1c: {  	s5 =	sadd.s32 $0x100, s5;
	s7 =	sadd.s32 s7, s17  }
0x1d: {  	[tilespmem:s0], [sflag:$0x2] =	stream.linear.gather [hbm4b:s7+s3], $0x100, $0x38;
	[tilespmem:$0x1EE28] =	vst v63  }
0x1e: {  	_ =	swait.ge [sflag:s28], $0x1900  }
0x1f: {  	[sflag:s28] =	ssyncset.done $0x0  }
0x20: {  	[sflag:s28] =	ssyncadd.s32 $0xFFFFE700  }
0x21: {  	_ =	swait.ge [sflag:s28], $0x1900  }
0x22: {  	[sflag:s28] =	ssyncset.done $0x0  }
0x23: {  	[sflag:s28] =	ssyncadd.s32 $0xFFFFE700  }
0x24: {  	_ =	swait.ge [sflag:s28], $0x1900  }
0x25: {  	[sflag:s28] =	ssyncset.done $0x0  }
0x26: {  	[sflag:s28] =	ssyncadd.s32 $0xFFFFE700  }
0x27: {  	_ =	swait.ge [sflag:s28], $0x1900  }
0x28: {  	[sflag:s28] =	ssyncset.done $0x0  }
0x29: {  	[sflag:s28] =	ssyncadd.s32 $0xFFFFE700  }
0x2a: {  	_ =	swait.ge [sflag:s28], $0x1900  }
0x2b: {  	[sflag:s28] =	ssyncset.done $0x0  }
0x2c: {  	[sflag:s28] =	ssyncadd.s32 $0xFFFFE700  }
0x2d: {  	_ =	swait.ge [sflag:s28], $0x1900  }
0x2e: {  	[sflag:s28] =	ssyncset.done $0x0  }
0x2f: {  	[sflag:s28] =	ssyncadd.s32 $0xFFFFE700  }
0x30: {  	_ =	swait.ge [sflag:s28], $0x1900  }
0x31: {  	[sflag:s28] =	ssyncset.done $0x0  }
0x32: {  	[sflag:s28] =	ssyncadd.s32 $0xFFFFE700  }
0x33: {  	_ =	swait.ge [sflag:s28], $0x1900  }
0x34: {  	[sflag:s28] =	ssyncset.done $0x0  }
0x35: {  	s0 =	simm.s32 $0x0;
	[sflag:s28] =	ssyncadd.s32 $0xFFFFE700  }
.LBB2_4:
0x36: {  	s4 =	rddreg [dreg:$0x4]  }
0x37: {  	s4 =	sadd.s32 s4, s0  }
0x38: {  	s5 =	smul.u32 $0x1E800, s4;
	_ =	sdelay $0x1  }
0x39: {  	s8 =	stileid.u32;
	s7 =	sadd.s32 s13, s5  }
0x3a: {  	s8 =	sshll.u32 s8, $0x6;
	s7 =	sshrl.u32 s7, $0x3  }
0x3b: {  	s9 =	sshrl.u32 s14, $0x3;
	s8 =	sor.u32 $0x1C01, s8;
	s7 =	sadd.s32 s6, s7  }
0x3c: {  	[spmem:s9], [sflag:s8] =	dma.local [hbm:s7], $0x3D0  }
0x3d: {  	s7 =	rddreg [dreg:$0x7]  }
0x3e: {  	s7 =	sadd.s32 s7, s5  }
0x3f: {  	s7 =	sshrl.u32 s7, $0x3  }
0x40: {  	s7 =	sadd.s32 s6, s7  }
0x41: {  	[spmem:s18], [sflag:s8] =	dma.local [hbm:s7], $0x3D0  }
0x42: {  	s7 =	rddreg [dreg:$0x8]  }
0x43: {  	s7 =	sadd.s32 s7, s5  }
0x44: {  	s7 =	sshrl.u32 s7, $0x3  }
0x45: {  	s7 =	sadd.s32 s6, s7  }
0x46: {  	[spmem:s19], [sflag:s8] =	dma.local [hbm:s7], $0x3D0  }
0x47: {  	s7 =	rddreg [dreg:$0x9]  }
0x48: {  	s7 =	sadd.s32 s7, s5  }
0x49: {  	s7 =	sshrl.u32 s7, $0x3  }
0x4a: {  	s7 =	sadd.s32 s6, s7  }
0x4b: {  	[spmem:s20], [sflag:s8] =	dma.local [hbm:s7], $0x3D0  }
0x4c: {  	s7 =	rddreg [dreg:$0xa]  }
0x4d: {  	s7 =	sadd.s32 s7, s5  }
0x4e: {  	s7 =	sshrl.u32 s7, $0x3  }
0x4f: {  	s11 =	sadd.s32 s15, s5;
	s7 =	sadd.s32 s6, s7  }
0x50: {  	[spmem:s21], [sflag:s8] =	dma.local [hbm:s7], $0x3D0  }
0x51: {  	s7 =	sshrl.u32 s11, $0x3  }
0x52: {  	s12 =	sadd.s32 s16, s5;
	s7 =	sadd.s32 s6, s7  }
0x53: {  	[spmem:s22], [sflag:s8] =	dma.local [hbm:s7], $0x3D0  }
0x54: {  	s7 =	sshrl.u32 s12, $0x3  }
0x55: {  	s9 =	sadd.s32 s26, s5;
	s7 =	sadd.s32 s6, s7  }
0x56: {  	[spmem:s23], [sflag:s8] =	dma.local [hbm:s7], $0x3D0  }
0x57: {  	s5 =	sshrl.u32 @!p0 s5, $0x3;
	s7 =	sshrl.u32 s9, $0x3  }
0x58: {  	s5 =	sadd.s32 @!p0 s6, s5;
	s7 =	sadd.s32 s6, s7  }
0x59: {  	[spmem:s24], [sflag:s8] =	dma.local [hbm:s7], $0x3D0  }
0x5a: {  	s5 =	sadd.s32 @!p0 $0x7A0000, s5;
	s7 =	simm.s32 @!p0 $0x1C01  }
0x5b: {  	[spmem:s25], [sflag:s7] =	dma.local @!p0 [hbm:s5], $0x48  }
0x5c: {  	_ =	swait.ge [sflag:s29], $0x3D0  }
0x5d: {  	[sflag:s29] =	ssyncset.done $0x0  }
0x5e: {  	[sflag:s29] =	ssyncadd.s32 $0xFFFFFC30  }
0x5f: {  	_ =	swait.ge [sflag:s29], $0x3D0  }
0x60: {  	[sflag:s29] =	ssyncset.done $0x0  }
0x61: {  	[sflag:s29] =	ssyncadd.s32 $0xFFFFFC30  }
0x62: {  	_ =	swait.ge [sflag:s29], $0x3D0  }
0x63: {  	[sflag:s29] =	ssyncset.done $0x0  }
0x64: {  	[sflag:s29] =	ssyncadd.s32 $0xFFFFFC30  }
0x65: {  	_ =	swait.ge [sflag:s29], $0x3D0  }
0x66: {  	[sflag:s29] =	ssyncset.done $0x0  }
0x67: {  	[sflag:s29] =	ssyncadd.s32 $0xFFFFFC30  }
0x68: {  	_ =	swait.ge [sflag:s29], $0x3D0  }
0x69: {  	[sflag:s29] =	ssyncset.done $0x0  }
0x6a: {  	[sflag:s29] =	ssyncadd.s32 $0xFFFFFC30  }
0x6b: {  	_ =	swait.ge [sflag:s29], $0x3D0  }
0x6c: {  	[sflag:s29] =	ssyncset.done $0x0  }
0x6d: {  	[sflag:s29] =	ssyncadd.s32 $0xFFFFFC30  }
0x6e: {  	_ =	swait.ge [sflag:s29], $0x3D0  }
0x6f: {  	[sflag:s29] =	ssyncset.done $0x0  }
0x70: {  	[sflag:s29] =	ssyncadd.s32 $0xFFFFFC30  }
0x71: {  	s10 =	sand.u32 $0x7, s0;
	_ =	swait.ge [sflag:s29], $0x3D0  }
0x72: {  	p2 =	sne.s32 s10, $0x0;
	[sflag:s29] =	ssyncset.done $0x0  }
0x73: {  	p1 =	seq.s32 s4, $0x0;
	s5 =	simm.s32 @!p0 $0x1;
	[sflag:s29] =	ssyncadd.s32 $0xFFFFFC30  }
0x74: {  	p1 =	por !p1, !p2;
	_ =	swait.ge @!p0 [sflag:s5], $0x48  }
0x75: {  	p1 =	por !p1, !p1;
	s7 =	simm.s32 $0x1;
	[sflag:s5] =	ssyncset.done @!p0 $0x0  }
0x76: {  	s4 =	sshrl.u32 s4, $0x3;
	s7 =	simm.s32 @!p1 $0x0;
	[sflag:s5] =	ssyncadd.s32 @!p0 $0xFFFFFFB8  }
0x77: {  	s4 =	ssub.s32 s4, s7;
	[bflag:$0x0] =	sbarrier.arrive $0xFFFF  }
0x78: {  	s11 =	sshll.u32 s0, $0x7;
	s4 =	sshll.u32 s4, $0xF;
	s12 =	rddreg [dreg:$0x5]  }
0x79: {  	s5 =	sand.u32 $0x380, s11;
	s4 =	sor.u32 s12, s4  }
0x7a: {  	s10 =	sshll.u32 s0, $0x3;
	s4 =	sor.u32 s5, s4;
	s5 =	simm.s32 $0x0  }
.LBB2_5:
0x7b: {  	s7 =	sadd.s32 s10, s5  }
0x7c: {  	p1 =	slt.u32 s7, $0x2  }
0x7d: {  	s8 =	sand.u32 $0x1, s5;
	s11 =	smul.u32 $0x6400, s5;
	s7 =	simm.s32 @!p1 $0x3  }
0x7e: {  	s9 =	simm.s32 $0x1900;
	p2 =	seq.s32 s8, $0x1;
	_ =	swait.ge @!p1 [sflag:s7], $0x1900  }
0x7f: {  	s9 =	simm.s32 @!p2 $0x0;
	s8 =	sshra.s32 s11, $0x2;
	[sflag:s7] =	ssyncset.done @!p1 $0x0  }
0x80: {  	s11 =	sadd.s32 $0xF428, s8;
	[sflag:s7] =	ssyncadd.s32 @!p1 $0xFFFFE700;
	s7 =	sadd.s32 $0x1BC28, s9  }
0x81: {  	[tilespmem:s7], [sflag:$0x2] =	stream.indirect.gather [spmem:s2], $0x1, s11, s30, $0xb8;
	[tilespmem:$0x1EE28] =	vst v63  }
0x82: {  	s12 =	sadd.s32 $0xF4A8, s8;
	s11 =	sadd.s32 $0x1BCA8, s9  }
0x83: {  	[tilespmem:s11], [sflag:$0x2] =	stream.indirect.gather [spmem:s2], $0x1, s12, s30, $0xb8;
	[tilespmem:$0x1EE28] =	vst v63  }
0x84: {  	s11 =	sadd.s32 $0x1BD28, s9;
	s12 =	sadd.s32 $0xF528, s8  }
0x85: {  	[tilespmem:s11], [sflag:$0x2] =	stream.indirect.gather [spmem:s2], $0x1, s12, s30, $0xb8;
	[tilespmem:$0x1EE28] =	vst v63  }
0x86: {  	s11 =	sadd.s32 $0x1BDA8, s9;
	s12 =	sadd.s32 $0xF5A8, s8  }
0x87: {  	[tilespmem:s11], [sflag:$0x2] =	stream.indirect.gather [spmem:s2], $0x1, s12, s30, $0xb8;
	[tilespmem:$0x1EE28] =	vst v63  }
0x88: {  	s11 =	sadd.s32 $0x1BE28, s9;
	s12 =	sadd.s32 $0xF628, s8  }
0x89: {  	[tilespmem:s11], [sflag:$0x2] =	stream.indirect.gather [spmem:s2], $0x1, s12, s30, $0xb8;
	[tilespmem:$0x1EE28] =	vst v63  }
0x8a: {  	s11 =	sadd.s32 $0x1BEA8, s9;
	s12 =	sadd.s32 $0xF6A8, s8  }
0x8b: {  	[tilespmem:s11], [sflag:$0x2] =	stream.indirect.gather [spmem:s2], $0x1, s12, s30, $0xb8;
	[tilespmem:$0x1EE28] =	vst v63  }
0x8c: {  	s11 =	sadd.s32 $0x1BF28, s9;
	s12 =	sadd.s32 $0xF728, s8  }
0x8d: {  	[tilespmem:s11], [sflag:$0x2] =	stream.indirect.gather [spmem:s2], $0x1, s12, s30, $0xb8;
	[tilespmem:$0x1EE28] =	vst v63  }
0x8e: {  	s11 =	sadd.s32 $0x1BFA8, s9;
	s12 =	sadd.s32 $0xF7A8, s8  }
0x8f: {  	[tilespmem:s11], [sflag:$0x2] =	stream.indirect.gather [spmem:s2], $0x1, s12, s30, $0xb8;
	[tilespmem:$0x1EE28] =	vst v63  }
0x90: {  	s11 =	sor.u32 $0x1C028, s9;
	s12 =	sadd.s32 $0xF828, s8  }
0x91: {  	[tilespmem:s11], [sflag:$0x2] =	stream.indirect.gather [spmem:s2], $0x1, s12, s30, $0xb8;
	[tilespmem:$0x1EE28] =	vst v63  }
0x92: {  	s11 =	sor.u32 $0x1C0A8, s9;
	s12 =	sadd.s32 $0xF8A8, s8  }
0x93: {  	[tilespmem:s11], [sflag:$0x2] =	stream.indirect.gather [spmem:s2], $0x1, s12, s30, $0xb8;
	[tilespmem:$0x1EE28] =	vst v63  }
0x94: {  	s11 =	sadd.s32 $0x1C128, s9;
	s12 =	sadd.s32 $0xF928, s8  }
0x95: {  	[tilespmem:s11], [sflag:$0x2] =	stream.indirect.gather [spmem:s2], $0x1, s12, s30, $0xb8;
	[tilespmem:$0x1EE28] =	vst v63  }
0x96: {  	s11 =	sadd.s32 $0x1C1A8, s9;
	s12 =	sadd.s32 $0xF9A8, s8  }
0x97: {  	[tilespmem:s11], [sflag:$0x2] =	stream.indirect.gather [spmem:s2], $0x1, s12, s30, $0xb8;
	[tilespmem:$0x1EE28] =	vst v63  }
0x98: {  	s11 =	sor.u32 $0x1C228, s9;
	s12 =	sadd.s32 $0xFA28, s8  }
0x99: {  	[tilespmem:s11], [sflag:$0x2] =	stream.indirect.gather [spmem:s2], $0x1, s12, s30, $0xb8;
	[tilespmem:$0x1EE28] =	vst v63  }
0x9a: {  	s11 =	sor.u32 $0x1C2A8, s9;
	s12 =	sadd.s32 $0xFAA8, s8  }
0x9b: {  	[tilespmem:s11], [sflag:$0x2] =	stream.indirect.gather [spmem:s2], $0x1, s12, s30, $0xb8;
	[tilespmem:$0x1EE28] =	vst v63  }
0x9c: {  	s11 =	sadd.s32 $0x1C328, s9;
	s12 =	sadd.s32 $0xFB28, s8  }
0x9d: {  	[tilespmem:s11], [sflag:$0x2] =	stream.indirect.gather [spmem:s2], $0x1, s12, s30, $0xb8;
	[tilespmem:$0x1EE28] =	vst v63  }
0x9e: {  	s11 =	sadd.s32 $0x1C3A8, s9;
	s12 =	sadd.s32 $0xFBA8, s8  }
0x9f: {  	[tilespmem:s11], [sflag:$0x2] =	stream.indirect.gather [spmem:s2], $0x1, s12, s30, $0xb8;
	[tilespmem:$0x1EE28] =	vst v63  }
0xa0: {  	s11 =	sor.u32 $0x1C428, s9;
	s12 =	sadd.s32 $0xFC28, s8  }
0xa1: {  	[tilespmem:s11], [sflag:$0x2] =	stream.indirect.gather [spmem:s2], $0x1, s12, s30, $0xb8;
	[tilespmem:$0x1EE28] =	vst v63  }
0xa2: {  	s11 =	sor.u32 $0x1C4A8, s9;
	s12 =	sadd.s32 $0xFCA8, s8  }
0xa3: {  	[tilespmem:s11], [sflag:$0x2] =	stream.indirect.gather [spmem:s2], $0x1, s12, s30, $0xb8;
	[tilespmem:$0x1EE28] =	vst v63  }
0xa4: {  	s11 =	sadd.s32 $0x1C528, s9;
	s12 =	sadd.s32 $0xFD28, s8  }
0xa5: {  	[tilespmem:s11], [sflag:$0x2] =	stream.indirect.gather [spmem:s2], $0x1, s12, s30, $0xb8;
	[tilespmem:$0x1EE28] =	vst v63  }
0xa6: {  	s11 =	sadd.s32 $0x1C5A8, s9;
	s12 =	sadd.s32 $0xFDA8, s8  }
0xa7: {  	[tilespmem:s11], [sflag:$0x2] =	stream.indirect.gather [spmem:s2], $0x1, s12, s30, $0xb8;
	[tilespmem:$0x1EE28] =	vst v63  }
0xa8: {  	s11 =	sor.u32 $0x1C628, s9;
	s12 =	sadd.s32 $0xFE28, s8  }
0xa9: {  	[tilespmem:s11], [sflag:$0x2] =	stream.indirect.gather [spmem:s2], $0x1, s12, s30, $0xb8;
	[tilespmem:$0x1EE28] =	vst v63  }
0xaa: {  	s11 =	sor.u32 $0x1C6A8, s9;
	s12 =	sadd.s32 $0xFEA8, s8  }
0xab: {  	[tilespmem:s11], [sflag:$0x2] =	stream.indirect.gather [spmem:s2], $0x1, s12, s30, $0xb8;
	[tilespmem:$0x1EE28] =	vst v63  }
0xac: {  	s11 =	sadd.s32 $0x1C728, s9;
	s12 =	sadd.s32 $0xFF28, s8  }
0xad: {  	[tilespmem:s11], [sflag:$0x2] =	stream.indirect.gather [spmem:s2], $0x1, s12, s30, $0xb8;
	[tilespmem:$0x1EE28] =	vst v63  }
0xae: {  	s11 =	sadd.s32 $0x1C7A8, s9;
	s12 =	sadd.s32 $0xFFA8, s8  }
0xaf: {  	[tilespmem:s11], [sflag:$0x2] =	stream.indirect.gather [spmem:s2], $0x1, s12, s30, $0xb8;
	[tilespmem:$0x1EE28] =	vst v63  }
0xb0: {  	s11 =	sadd.s32 $0x1C828, s9;
	s12 =	sadd.s32 $0x10028, s8  }
0xb1: {  	[tilespmem:s11], [sflag:$0x2] =	stream.indirect.gather [spmem:s2], $0x1, s12, s30, $0xb8;
	[tilespmem:$0x1EE28] =	vst v63  }
0xb2: {  	s11 =	sadd.s32 $0x1C8A8, s9;
	s12 =	sadd.s32 $0x100A8, s8  }
0xb3: {  	[tilespmem:s11], [sflag:$0x2] =	stream.indirect.gather [spmem:s2], $0x1, s12, s30, $0xb8;
	[tilespmem:$0x1EE28] =	vst v63  }
0xb4: {  	s11 =	sadd.s32 $0x1C928, s9;
	s12 =	sadd.s32 $0x10128, s8  }
0xb5: {  	[tilespmem:s11], [sflag:$0x2] =	stream.indirect.gather [spmem:s2], $0x1, s12, s30, $0xb8;
	[tilespmem:$0x1EE28] =	vst v63  }
0xb6: {  	s11 =	sadd.s32 $0x1C9A8, s9;
	s12 =	sadd.s32 $0x101A8, s8  }
0xb7: {  	[tilespmem:s11], [sflag:$0x2] =	stream.indirect.gather [spmem:s2], $0x1, s12, s30, $0xb8;
	[tilespmem:$0x1EE28] =	vst v63  }
0xb8: {  	s11 =	sadd.s32 $0x1CA28, s9;
	s12 =	sadd.s32 $0x10228, s8  }
0xb9: {  	[tilespmem:s11], [sflag:$0x2] =	stream.indirect.gather [spmem:s2], $0x1, s12, s30, $0xb8;
	[tilespmem:$0x1EE28] =	vst v63  }
0xba: {  	s11 =	sadd.s32 $0x1CAA8, s9;
	s12 =	sadd.s32 $0x102A8, s8  }
0xbb: {  	[tilespmem:s11], [sflag:$0x2] =	stream.indirect.gather [spmem:s2], $0x1, s12, s30, $0xb8;
	[tilespmem:$0x1EE28] =	vst v63  }
0xbc: {  	s11 =	sadd.s32 $0x1CB28, s9;
	s12 =	sadd.s32 $0x10328, s8  }
0xbd: {  	[tilespmem:s11], [sflag:$0x2] =	stream.indirect.gather [spmem:s2], $0x1, s12, s30, $0xb8;
	[tilespmem:$0x1EE28] =	vst v63  }
0xbe: {  	s11 =	sadd.s32 $0x1CBA8, s9;
	s12 =	sadd.s32 $0x103A8, s8  }
0xbf: {  	[tilespmem:s11], [sflag:$0x2] =	stream.indirect.gather [spmem:s2], $0x1, s12, s30, $0xb8;
	[tilespmem:$0x1EE28] =	vst v63  }
0xc0: {  	s11 =	sadd.s32 $0x1CC28, s9;
	s12 =	sadd.s32 $0x10428, s8  }
0xc1: {  	[tilespmem:s11], [sflag:$0x2] =	stream.indirect.gather [spmem:s2], $0x1, s12, s30, $0xb8;
	[tilespmem:$0x1EE28] =	vst v63  }
0xc2: {  	s11 =	sadd.s32 $0x1CCA8, s9;
	s12 =	sadd.s32 $0x104A8, s8  }
0xc3: {  	[tilespmem:s11], [sflag:$0x2] =	stream.indirect.gather [spmem:s2], $0x1, s12, s30, $0xb8;
	[tilespmem:$0x1EE28] =	vst v63  }
0xc4: {  	s11 =	sadd.s32 $0x1CD28, s9;
	s12 =	sadd.s32 $0x10528, s8  }
0xc5: {  	[tilespmem:s11], [sflag:$0x2] =	stream.indirect.gather [spmem:s2], $0x1, s12, s30, $0xb8;
	[tilespmem:$0x1EE28] =	vst v63  }
0xc6: {  	s11 =	sadd.s32 $0x1CDA8, s9;
	s12 =	sadd.s32 $0x105A8, s8  }
0xc7: {  	[tilespmem:s11], [sflag:$0x2] =	stream.indirect.gather [spmem:s2], $0x1, s12, s30, $0xb8;
	[tilespmem:$0x1EE28] =	vst v63  }
0xc8: {  	s11 =	sadd.s32 $0x1CE28, s9;
	s12 =	sadd.s32 $0x10628, s8  }
0xc9: {  	[tilespmem:s11], [sflag:$0x2] =	stream.indirect.gather [spmem:s2], $0x1, s12, s30, $0xb8;
	[tilespmem:$0x1EE28] =	vst v63  }
0xca: {  	s11 =	sadd.s32 $0x1CEA8, s9;
	s12 =	sadd.s32 $0x106A8, s8  }
0xcb: {  	[tilespmem:s11], [sflag:$0x2] =	stream.indirect.gather [spmem:s2], $0x1, s12, s30, $0xb8;
	[tilespmem:$0x1EE28] =	vst v63  }
0xcc: {  	s11 =	sadd.s32 $0x1CF28, s9;
	s12 =	sadd.s32 $0x10728, s8  }
0xcd: {  	[tilespmem:s11], [sflag:$0x2] =	stream.indirect.gather [spmem:s2], $0x1, s12, s30, $0xb8;
	[tilespmem:$0x1EE28] =	vst v63  }
0xce: {  	s11 =	sadd.s32 $0x1CFA8, s9;
	s12 =	sadd.s32 $0x107A8, s8  }
0xcf: {  	[tilespmem:s11], [sflag:$0x2] =	stream.indirect.gather [spmem:s2], $0x1, s12, s30, $0xb8;
	[tilespmem:$0x1EE28] =	vst v63  }
0xd0: {  	s11 =	sadd.s32 $0x1D028, s9;
	s12 =	sadd.s32 $0x10828, s8  }
0xd1: {  	[tilespmem:s11], [sflag:$0x2] =	stream.indirect.gather [spmem:s2], $0x1, s12, s30, $0xb8;
	[tilespmem:$0x1EE28] =	vst v63  }
0xd2: {  	s11 =	sadd.s32 $0x1D0A8, s9;
	s12 =	sadd.s32 $0x108A8, s8  }
0xd3: {  	[tilespmem:s11], [sflag:$0x2] =	stream.indirect.gather [spmem:s2], $0x1, s12, s30, $0xb8;
	[tilespmem:$0x1EE28] =	vst v63  }
0xd4: {  	s11 =	sadd.s32 $0x1D128, s9;
	s12 =	sadd.s32 $0x10928, s8  }
0xd5: {  	[tilespmem:s11], [sflag:$0x2] =	stream.indirect.gather [spmem:s2], $0x1, s12, s30, $0xb8;
	[tilespmem:$0x1EE28] =	vst v63  }
0xd6: {  	s11 =	sadd.s32 $0x1D1A8, s9;
	s12 =	sadd.s32 $0x109A8, s8  }
0xd7: {  	[tilespmem:s11], [sflag:$0x2] =	stream.indirect.gather [spmem:s2], $0x1, s12, s30, $0xb8;
	[tilespmem:$0x1EE28] =	vst v63  }
0xd8: {  	s11 =	sadd.s32 $0x1D228, s9;
	s12 =	sadd.s32 $0x10A28, s8  }
0xd9: {  	[tilespmem:s11], [sflag:$0x2] =	stream.indirect.gather [spmem:s2], $0x1, s12, s30, $0xb8;
	[tilespmem:$0x1EE28] =	vst v63  }
0xda: {  	s11 =	sadd.s32 $0x1D2A8, s9;
	s12 =	sadd.s32 $0x10AA8, s8  }
0xdb: {  	[tilespmem:s11], [sflag:$0x2] =	stream.indirect.gather [spmem:s2], $0x1, s12, s30, $0xb8;
	[tilespmem:$0x1EE28] =	vst v63  }
0xdc: {  	s11 =	sadd.s32 $0x1D328, s9;
	s12 =	sadd.s32 $0x10B28, s8  }
0xdd: {  	[tilespmem:s11], [sflag:$0x2] =	stream.indirect.gather [spmem:s2], $0x1, s12, s30, $0xb8;
	[tilespmem:$0x1EE28] =	vst v63  }
0xde: {  	s11 =	sadd.s32 $0x1D3A8, s9;
	s12 =	sadd.s32 $0x10BA8, s8  }
0xdf: {  	[tilespmem:s11], [sflag:$0x2] =	stream.indirect.gather [spmem:s2], $0x1, s12, s30, $0xb8;
	[tilespmem:$0x1EE28] =	vst v63  }
0xe0: {  	s11 =	sadd.s32 $0x1D428, s9;
	s12 =	sadd.s32 $0x10C28, s8  }
0xe1: {  	[tilespmem:s11], [sflag:$0x2] =	stream.indirect.gather [spmem:s2], $0x1, s12, s30, $0xb8;
	[tilespmem:$0x1EE28] =	vst v63  }
0xe2: {  	s9 =	sadd.s32 $0x1D4A8, s9;
	s8 =	sadd.s32 $0x10CA8, s8;
	s12 =	smul.u32 $0x640000, s5  }
0xe3: {  	[tilespmem:s9], [sflag:$0x2] =	stream.indirect.gather [spmem:s2], $0x1, s8, s30, $0xb8;
	[tilespmem:$0x1EE28] =	vst v63  }
0xe4: {  	s11 =	sadd.s32 s4, s12;
	_ =	swait.ge [sflag:s28], $0x1900  }
0xe5: {  	s12 =	sadd.s32 $0x0, s7;
	s8 =	sshrl.u32 s11, $0x3;
	[sflag:s28] =	ssyncset.done $0x0  }
0xe6: {  	s9 =	simm.s32 $0x400;
	s8 =	sadd.s32 s1, s8;
	[sflag:s28] =	ssyncadd.s32 $0xFFFFE700  }
0xe7: {  	[hbm4b:s8+s30] =	stream.strided.scatter [tilespmem:s12], [sflag:$0x3], $0x100, s31, s30, $0x38;
	[tilespmem:$0x1EE28] =	vst v63  }
.LBB2_6:
0xe8: {  	p1 =	sne.s32 s9, $0x6000  }
.Ltmp1:
0xe9: {  	_ = 	snop;
	(pc) =	sbr.rel @p1 .LBB2_6-.Ltmp1, $4  }
0xea: {  	_ = 	snop  }
0xeb: {  	s11 =	sshra.s32 s9, $0x2;
	s9 =	sadd.s32 $0x400, s9  }
0xec: {  	s8 =	sadd.s32 $0x8000, s8;
	s11 =	sadd.s32 s11, s7  }
0xed: {  	[hbm4b:s8+s30] =	stream.strided.scatter [tilespmem:s11], [sflag:$0x3], $0x100, s31, s30, $0x38;
	[tilespmem:$0x1EE28] =	vst v63  }
0xee: {  	s5 =	sadd.s32 $0x1, s5  }
0xef: {  	p1 =	sne.s32 s5, $0x8  }
.Ltmp2:
0xf0: {  	_ = 	snop;
	(pc) =	sbr.rel @p1 .LBB2_5-.Ltmp2, $1  }
0xf1: {  	_ =	sdelay $0x3  }
0xf2: {  	s0 =	sadd.s32 $0x1, s0  }
0xf3: {  	p1 =	sne.s32 s0, $0x20  }
.Ltmp3:
0xf4: {  	_ = 	snop;
	(pc) =	sbr.rel @p1 .LBB2_4-.Ltmp3, $2  }
0xf5: {  	_ =	sdelay $0x1  }
0xf6: {  	[bflag:$0x0] =	sbarrier.arrive $0xFFFF;
	_ =	sdelay $0x1  }
0xf7: {  	s4 =	simm.s32 $0x3  }
0xf8: {  	_ =	swait.ge [sflag:s4], $0x1900  }
0xf9: {  	[sflag:s4] =	ssyncset.done $0x0  }
0xfa: {  	[sflag:s4] =	ssyncadd.s32 $0xFFFFE700  }
0xfb: {  	_ =	swait.ge [sflag:s4], $0x1900  }
0xfc: {  	s5 =	rddreg [dreg:$0xb]  }
0xfd: {  	s0 =	rddreg [dreg:$0x6];
	s5 =	sadd.s32 $0x1, s5  }
0xfe: {  	p1 =	sne.s32 s5, s0  }
.Ltmp4:
0xff: {  	_ = 	snop;
	(pc) =	sbr.rel @p1 .LBB2_1-.Ltmp4, $3  }
0x100: {  	_ =	sdelay $0x1  }
0x101: {  	[sflag:s4] =	ssyncset.done $0x0  }
0x102: {  	[sflag:s4] =	ssyncadd.s32 $0xFFFFE700  }
0x103: {  	_ =	sfence.sel $0x180000  }
0x104: {  	[bflag:$0x0] =	sbarrier.arrive $0xFFFF  }
0x105: {  	_ =	strace $0x90000047  }
0x106: {  	[bflag:$0x2] =	sbarrier.arrive $0xFFFF  }
0x107: {  	s0 =	rddreg [dreg:$0x3]  }
0x108: {  	s0 =	sadd.s32 @!p0 $0x100000, s0  }
0x109: {  	[sflag:s0] =	ssyncadd.tile.s32 @!p0 $0x1;
	_ =	shalt  }
.Lfunc_end2:
_tile_overlayer_lowered:
.L_overlay_start_2:
0x10a: {  	(tag) =	ssettag $0x2  }
0x10b: {  	s0 =	rddreg [dreg:$0x0];
	s2 =	stileid.u32  }
0x10c: {  	s1 =	rddreg [dreg:$0x1];
	p0 =	sne.s32 s2, $0x0  }
0x10d: {  	s3 =	rddreg [dreg:$0x2];
	[bflag:$0x3] =	sbarrier.arrive $0xFFFF;
	s2 =	simm.s32 @!p0 $0x1C04  }
0x10e: {  	[timem:s3], [sflag:s2] =	dma.local @!p0 [hbm:s0], s1  }
0x10f: {  	s0 =	simm.s32 @!p0 $0x4  }
0x110: {  	_ =	swait.ge @!p0 [sflag:s0], s1  }
0x111: {  	s1 =	ssub.s32 @!p0 $0x0, s1;
	[sflag:s0] =	ssyncset.done @!p0 $0x0  }
0x112: {  	[sflag:s0] =	ssyncadd.s32 @!p0 s1  }
0x113: {  	[bflag:$0x3] =	sbarrier.arrive $0xFFFF  }
0x114: {  	_ =	shalt  }

</sc_bundles>
